<compile_context>
chip_gen: v7x
topology: tpu7x:2x2x1
jax: 0.10.2.dev20260603
libtpu: 0.0.44.dev20260713+nightly
codegen_flags: <defaults>
</compile_context>

<pallas_src>
import functools

import jax
import jax.numpy as jnp
from jax import lax
from jax.experimental import pallas as pl
from jax.experimental.pallas import tpu as pltpu
from jax.experimental.pallas import tpu_sc as plsc

_K = 20
_EPS = 1e-5
_N = 1024
_B = 4
_P = _B * _N
_RB = 256
_RD = 64



def _knn_body(xblk_ref, xall_ref, xx_ref, idx_ref):
    b = pl.program_id(0)
    i = pl.program_id(1)
    xb = xblk_ref[0]
    xa = xall_ref[0]
    inner = lax.dot_general(xb, xa, (((1,), (1,)), ((), ())),
                            preferred_element_type=jnp.float32)
    xxa = xx_ref[0, 0, :][None, :]
    xxb = xx_ref[0, 0, pl.ds(i * _RB, _RB)].reshape(_RB, 1)
    d = (xxb + xxa) + (-2.0) * inner

    iota = lax.broadcasted_iota(jnp.int32, (_RB, _N), 1)
    cols = []
    for _ in range(_K):
        mn = jnp.min(d, axis=1, keepdims=True)
        am = jnp.min(jnp.where(d == mn, iota, _N), axis=1, keepdims=True)
        cols.append(am)
        d = jnp.where(iota == am, jnp.inf, d)
    idx_ref[0] = jnp.concatenate(cols, axis=1) + b * _N


def _knn(x, xx):
    Bq, Nq, C = x.shape
    return pl.pallas_call(
        _knn_body,
        grid=(Bq, Nq // _RB),
        in_specs=[
            pl.BlockSpec((1, _RB, C), lambda b, i: (b, i, 0)),
            pl.BlockSpec((1, Nq, C), lambda b, i: (b, 0, 0)),
            pl.BlockSpec((1, 1, Nq), lambda b, i: (b, 0, 0)),
        ],
        out_specs=pl.BlockSpec((1, _RB, _K), lambda b, i: (b, i, 0)),
        out_shape=jax.ShapeDtypeStruct((Bq, Nq, _K), jnp.int32),
    )(x, x, xx)



@functools.cache
def _sc_gather(tw):
    info = plsc.get_sparse_core_info()
    NC, NS = info.num_cores, info.num_subcores
    NW = NC * NS
    PW = _P // NW
    CH = 8
    n_chunks = PW // CH
    mesh = plsc.VectorSubcoreMesh(core_axis_name="c", subcore_axis_name="s")

    @functools.partial(
        pl.kernel, mesh=mesh,
        out_type=jax.ShapeDtypeStruct((_P * _K, tw), jnp.float32),
        scratch_types=[
            pltpu.VMEM((CH * _K,), jnp.int32),
            pltpu.VMEM((CH * _K, tw), jnp.float32),
            pltpu.SemaphoreType.DMA,
        ],
    )
    def gather(idx_hbm, tab_hbm, out_hbm, idx_v, rows_v, sem):
        wid = lax.axis_index("s") * NC + lax.axis_index("c")
        base_pt = wid * PW

        def chunk_body(ci, carry):
            r0 = (base_pt + ci * CH) * _K
            pltpu.sync_copy(idx_hbm.at[pl.ds(r0, CH * _K)], idx_v)
            pltpu.async_copy(tab_hbm.at[idx_v], rows_v, sem).wait()
            pltpu.sync_copy(rows_v, out_hbm.at[pl.ds(r0, CH * _K)])
            return carry

        lax.fori_loop(0, n_chunks, chunk_body, 0)

    return gather



def _edge_d_body(g_ref, xi_ref, wf_ref, y_ref, mx_ref):
    C = wf_ref.shape[0] // 2
    Cout = wf_ref.shape[1]
    g = g_ref[...][:, :C]
    xi = xi_ref[...][:, :C]
    xi_exp = jnp.broadcast_to(xi[:, None, :], (_RD, _K, C)).reshape(
        _RD * _K, C)
    feat = jnp.concatenate([g - xi_exp, xi_exp], axis=1)
    y = jnp.dot(feat, wf_ref[...], preferred_element_type=jnp.float32)
    y3 = y.reshape(_RD, _K, Cout)
    mx_ref[...] = jnp.max(y3, axis=1)
    y_ref[0] = jnp.transpose(y, (1, 0)).reshape(Cout, _RD, _K)


def _edge_d(gat, xtab, WfT):
    C2, Cout = WfT.shape
    TW = xtab.shape[1]
    nb = _N // _RD
    grid = (_P // _RD,)
    y, mx = pl.pallas_call(
        _edge_d_body,
        grid=grid,
        in_specs=[
            pl.BlockSpec((_RD * _K, TW), lambda i: (i, 0)),
            pl.BlockSpec((_RD, TW), lambda i: (i, 0)),
            pl.BlockSpec((C2, Cout), lambda i: (0, 0)),
        ],
        out_specs=[
            pl.BlockSpec((1, Cout, _RD, _K),
                         lambda i: (i // nb, 0, i % nb, 0)),
            pl.BlockSpec((_RD, Cout), lambda i: (i, 0)),
        ],
        out_shape=[
            jax.ShapeDtypeStruct((_B, Cout, _N, _K), jnp.float32),
            jax.ShapeDtypeStruct((_P, Cout), jnp.float32),
        ],
    )(gat, xtab, WfT)
    return y, mx



def _edge_e_body(mx_ref, m_ref, v_ref, g_ref, b_ref, o_ref):
    out = ((mx_ref[...] - m_ref[0][None, :])
           / jnp.sqrt(v_ref[0] + _EPS)[None, :]
           * g_ref[0][None, :] + b_ref[0][None, :])
    out = jnp.maximum(out, 0.0)
    tw = o_ref.shape[1]
    if tw > out.shape[1]:
        out = jnp.concatenate(
            [out, jnp.zeros((out.shape[0], tw - out.shape[1]), jnp.float32)],
            axis=1)
    o_ref[...] = out


def _edge_e(mx, m, v, g, b, tw_out):
    P, Cout = mx.shape
    return pl.pallas_call(
        _edge_e_body,
        out_shape=jax.ShapeDtypeStruct((P, tw_out), jnp.float32),
    )(mx, m[None, :], v[None, :], g[None, :], b[None, :])


def _edge_layer(xtab, C, W, g, b):
    Cout = W.shape[0]
    WfT = jnp.transpose(W)
    TW = xtab.shape[1]
    x3d = xtab.reshape(_B, _N, TW)
    xt = jnp.transpose(x3d[:, :, :C], (0, 2, 1))
    xx = jnp.sum(xt * xt, axis=1)[:, None, :]
    idx = _knn(x3d, xx)
    gat = _sc_gather(TW)(idx.reshape(_P * _K), xtab)
    y, mx = _edge_d(gat, xtab, WfT)
    m = jnp.mean(y, axis=(0, 2, 3))
    v = jnp.var(y, axis=(0, 2, 3))
    return _edge_e(mx, m, v, g, b, max(Cout, 128))



def _head_body(x1_ref, x2_ref, x3_ref, x4_ref, w5_ref, g5_ref, b5_ref,
               w6a_ref, w6b_ref, g6_ref, b6_ref, w7_ref, g7_ref, b7_ref,
               w8_ref, b8_ref, o_ref):
    xc = jnp.concatenate(
        [x1_ref[...], x2_ref[...], x3_ref[...], x4_ref[...]], axis=1)

    sum5 = jnp.zeros((w5_ref.shape[1],), jnp.float32)
    sq5 = jnp.zeros((w5_ref.shape[1],), jnp.float32)
    m5 = []
    for bb in range(_B):
        y5b = jnp.dot(xc[bb * _N:(bb + 1) * _N], w5_ref[...],
                      preferred_element_type=jnp.float32)
        sum5 = sum5 + jnp.sum(y5b, axis=0)
        sq5 = sq5 + jnp.sum(y5b * y5b, axis=0)
        m5.append(jnp.max(y5b, axis=0, keepdims=True))
    mean5 = sum5 / _P
    var5 = sq5 / _P - mean5 * mean5
    xm = jnp.maximum(
        (jnp.concatenate(m5, axis=0) - mean5[None, :])
        / jnp.sqrt(var5 + _EPS)[None, :] * g5_ref[0][None, :]
        + b5_ref[0][None, :], 0.0)
    cvec = jnp.dot(xm, w6b_ref[...], preferred_element_type=jnp.float32)

    y6l = []
    for bb in range(_B):
        y6b = jnp.dot(xc[bb * _N:(bb + 1) * _N], w6a_ref[...],
                      preferred_element_type=jnp.float32)
        y6l.append(y6b + cvec[bb][None, :])
    y6 = jnp.concatenate(y6l, axis=0)
    mean6 = jnp.sum(y6, axis=0) / _P
    var6 = jnp.sum(y6 * y6, axis=0) / _P - mean6 * mean6
    xf6 = jnp.maximum(
        (y6 - mean6[None, :]) / jnp.sqrt(var6 + _EPS)[None, :]
        * g6_ref[0][None, :] + b6_ref[0][None, :], 0.0)

    y7 = jnp.dot(xf6, w7_ref[...], preferred_element_type=jnp.float32)
    mean7 = jnp.sum(y7, axis=0) / _P
    var7 = jnp.sum(y7 * y7, axis=0) / _P - mean7 * mean7
    xf7 = jnp.maximum(
        (y7 - mean7[None, :]) / jnp.sqrt(var7 + _EPS)[None, :]
        * g7_ref[0][None, :] + b7_ref[0][None, :], 0.0)

    y8 = jnp.dot(xf7, w8_ref[...], preferred_element_type=jnp.float32)
    o_ref[...] = y8 + b8_ref[0][None, :]


def _head(x1, x2, x3, x4, W5, g5, b5, W6, g6, b6, W7, g7, b7, W8, b8):
    W5T = jnp.transpose(W5)
    W6aT = jnp.transpose(W6[:, :512])
    W6bT = jnp.transpose(W6[:, 512:])
    W7T = jnp.transpose(W7)
    O = W8.shape[0]
    W8Tp = jnp.zeros((W8.shape[1], 128), jnp.float32).at[:, :O].set(
        jnp.transpose(W8))
    b8p = jnp.zeros((128,), jnp.float32).at[:O].set(b8)
    out = pl.pallas_call(
        _head_body,
        out_shape=jax.ShapeDtypeStruct((_P, 128), jnp.float32),
    )(x1, x2, x3, x4, W5T, g5[None, :], b5[None, :], W6aT, W6bT,
      g6[None, :], b6[None, :], W7T, g7[None, :], b7[None, :],
      W8Tp, b8p[None, :])
    return out[:, :O].reshape(_B, _N, O)


def kernel(x, W1, g1, b1, W2, g2, b2, W3, g3, b3, W4, g4, b4, W5, g5, b5,
           W6, g6, b6, W7, g7, b7, W8, b8):
    x0 = jnp.pad(x.reshape(_P, 4), ((0, 0), (0, 124)))
    t1 = _edge_layer(x0, 4, W1, g1, b1)
    t2 = _edge_layer(t1, 64, W2, g2, b2)
    t3 = _edge_layer(t2, 64, W3, g3, b3)
    t4 = _edge_layer(t3, 128, W4, g4, b4)
    return _head(t1[:, :64], t2[:, :64], t3, t4, W5, g5, b5, W6, g6, b6,
                 W7, g7, b7, W8, b8)

# --- scband reference (transcript-rebuilt; emitter-appended) ---
"""Pipeline reference for scband-dgcnnseg4-d-1769526526593 (READ-ONLY COPY).

The authoritative reference and input builder live on the scoring server;
editing this copy changes nothing except your own understanding.
"""

import jax, jax.numpy as jnp
import numpy as np

B, N, K = 4, 1024, 20
NUM_CLASSES = 13
EMB = 1024
EPS = 1e-5


def knn_idx(x, k):
    # x: (B, C, N)
    inner = -2.0 * jnp.einsum('bcn,bcm->bnm', x, x)
    xx = jnp.sum(x * x, axis=1)
    dist = xx[:, :, None] + xx[:, None, :] + inner
    _, idx = jax.lax.top_k(-dist, k)
    return idx


def graph_feature(x, k):
    Bq, C, Nq = x.shape
    idx = knn_idx(x, k)  # (B, N, k)
    xt = jnp.transpose(x, (0, 2, 1))  # (B, N, C)
    feat = jax.vmap(lambda a, i: a[i])(xt, idx)  # (B, N, k, C) gather
    xe = jnp.broadcast_to(xt[:, :, None, :], (Bq, Nq, k, C))
    f = jnp.concatenate([feat - xe, xe], axis=3)
    return jnp.transpose(f, (0, 3, 1, 2))  # (B, 2C, N, k)


def conv2_bn_relu(x, W, g, b):
    y = jnp.einsum('oc,bcnk->bonk', W, x)
    m = jnp.mean(y, axis=(0, 2, 3), keepdims=True)
    v = jnp.var(y, axis=(0, 2, 3), keepdims=True)
    y = (y - m) / jnp.sqrt(v + EPS)
    y = y * g[None, :, None, None] + b[None, :, None, None]
    return jax.nn.relu(y)


def conv1_bn_relu(x, W, g, b):
    y = jnp.einsum('oc,bcn->bon', W, x)
    m = jnp.mean(y, axis=(0, 2), keepdims=True)
    v = jnp.var(y, axis=(0, 2), keepdims=True)
    y = (y - m) / jnp.sqrt(v + EPS)
    y = y * g[None, :, None] + b[None, :, None]
    return jax.nn.relu(y)


def setup_inputs(seed: int = 0):
    key = jax.random.key(seed)
    ks = jax.random.split(key, 16)

    def w(kk, shape):
        return jax.random.normal(kk, shape, dtype=jnp.float32) * 0.05

    inp = {}
    inp['x'] = jax.random.normal(ks[0], (B, N, 4), dtype=jnp.float32)
    inp['W1'] = w(ks[1], (64, 8))
    inp['g1'] = jnp.ones((64,), jnp.float32)
    inp['b1'] = jnp.zeros((64,), jnp.float32)
    inp['W2'] = w(ks[2], (64, 128))
    inp['g2'] = jnp.ones((64,), jnp.float32)
    inp['b2'] = jnp.zeros((64,), jnp.float32)
    inp['W3'] = w(ks[3], (128, 128))
    inp['g3'] = jnp.ones((128,), jnp.float32)
    inp['b3'] = jnp.zeros((128,), jnp.float32)
    inp['W4'] = w(ks[4], (256, 256))
    inp['g4'] = jnp.ones((256,), jnp.float32)
    inp['b4'] = jnp.zeros((256,), jnp.float32)
    inp['W5'] = w(ks[5], (EMB, 512))
    inp['g5'] = jnp.ones((EMB,), jnp.float32)
    inp['b5'] = jnp.zeros((EMB,), jnp.float32)
    inp['W6'] = w(ks[6], (512, 512 + EMB))
    inp['g6'] = jnp.ones((512,), jnp.float32)
    inp['b6'] = jnp.zeros((512,), jnp.float32)
    inp['W7'] = w(ks[7], (256, 512))
    inp['g7'] = jnp.ones((256,), jnp.float32)
    inp['b7'] = jnp.zeros((256,), jnp.float32)
    inp['W8'] = w(ks[8], (NUM_CLASSES, 256))
    inp['b8'] = jnp.zeros((NUM_CLASSES,), jnp.float32)
    return inp


def reference(x, W1, g1, b1, W2, g2, b2, W3, g3, b3, W4, g4, b4, W5, g5, b5, W6, g6, b6, W7, g7, b7, W8, b8):
    xp = jnp.transpose(x, (0, 2, 1))  # (B, 4, N)
    x1 = jnp.max(conv2_bn_relu(graph_feature(xp, K), W1, g1, b1), axis=-1)
    x2 = jnp.max(conv2_bn_relu(graph_feature(x1, K), W2, g2, b2), axis=-1)
    x3 = jnp.max(conv2_bn_relu(graph_feature(x2, K), W3, g3, b3), axis=-1)
    x4 = jnp.max(conv2_bn_relu(graph_feature(x3, K), W4, g4, b4), axis=-1)
    xc = jnp.concatenate([x1, x2, x3, x4], axis=1)  # (B, 512, N)
    xg = conv1_bn_relu(xc, W5, g5, b5)
    xm = jnp.max(xg, axis=-1, keepdims=True)
    xe = jnp.broadcast_to(xm, (xm.shape[0], xm.shape[1], N))
    xf = jnp.concatenate([xc, xe], axis=1)
    xf = conv1_bn_relu(xf, W6, g6, b6)
    xf = conv1_bn_relu(xf, W7, g7, b7)
    # dropout acts as identity in eval / deterministic reference
    y = jnp.einsum('oc,bcn->bon', W8, xf) + b8[None, :, None]
    return jnp.transpose(y, (0, 2, 1))  # (B, N, num_classes)

if __name__ == "__main__":
    import jax
    _d = setup_inputs()
    print(jax.jit(kernel)(*tuple(_d.values())))

</pallas_src>

<mosaic_0001>
#map = affine_map<(d0, d1) -> (0)>
#map1 = affine_map<(d0, d1) -> (0, 0)>
module attributes {stable_mosaic.version = 14 : i64} {
  func.func @gather(%arg0: i32, %arg1: i32, %arg2: memref<81920xi32, #tpu.memory_space<hbm>>, %arg3: memref<4096x128xf32, #tpu.memory_space<hbm>>, %arg4: memref<81920x128xf32, #tpu.memory_space<hbm>>, %arg5: memref<160xi32, #tpu.memory_space<vmem>>, %arg6: memref<160x128xf32, #tpu.memory_space<vmem>>, %arg7: memref<!tpu.dma_semaphore, #tpu.memory_space<semaphore_mem>>) attributes {dimension_semantics = [#tpu.dimension_semantics<core_parallel>, #tpu.dimension_semantics<subcore_parallel>], iteration_bounds = array<i64: 2, 16>, scalar_prefetch = 0 : i64, scratch_operands = 3 : i64, tpu.core_type = #tpu.core_type<sc_vector_subcore>, window_params = [{transform_indices = #map}, {transform_indices = #map1}, {transform_indices = #map1}]} {
    %mul3A = arith.constant 2 : i32
    %mul3A_0 = arith.muli %arg1, %mul3A : i32
    %add3A = arith.addi %mul3A_0, %arg0 : i32
    %mul3A_1 = arith.constant 128 : i32
    %mul3A_2 = arith.muli %add3A, %mul3A_1 : i32
    %scan3A = arith.constant 0 : i32
    %scan3A_3 = arith.constant 0 : i32
    %scan3A_4 = arith.constant 16 : i32
    %scan3A_5 = arith.addi %scan3A_3, %scan3A_4 : i32
    %scan3A_6 = arith.constant 1 : i32
    scf.for %scan3A_8 = %scan3A_3 to %scan3A_5 step %scan3A_6  : i32 {
      %mul3A_9 = arith.constant 8 : i32
      %mul3A_10 = arith.muli %scan3A_8, %mul3A_9 : i32
      %add3A_11 = arith.addi %mul3A_2, %mul3A_10 : i32
      %mul3A_12 = arith.constant 20 : i32
      %mul3A_13 = arith.muli %add3A_11, %mul3A_12 : i32
      "tpu.region"() ({
        %run_scoped3A = tpu.sem_alloc : memref<!tpu.dma_semaphore, #tpu.memory_space<semaphore_mem>>
        %dma_start3A_18 = tpu.memref_slice %arg2[%mul3A_13] : memref<81920xi32, #tpu.memory_space<hbm>> -> memref<160xi32, #tpu.memory_space<hbm>>
        %dma_start3A_19 = tpu.memref_slice %arg2[%mul3A_13] : memref<81920xi32, #tpu.memory_space<hbm>> -> memref<160xi32, #tpu.memory_space<hbm>>
        tpu.enqueue_dma source(%dma_start3A_19 : memref<160xi32, #tpu.memory_space<hbm>>) target(%arg5 : memref<160xi32, #tpu.memory_space<vmem>>) target_semaphore(%run_scoped3A : memref<!tpu.dma_semaphore, #tpu.memory_space<semaphore_mem>>)
        %dma_wait3A_20 = tpu.memref_slice %arg2[%mul3A_13] : memref<81920xi32, #tpu.memory_space<hbm>> -> memref<160xi32, #tpu.memory_space<hbm>>
        %dma_wait3A_21 = tpu.memref_slice %arg2[%mul3A_13] : memref<81920xi32, #tpu.memory_space<hbm>> -> memref<160xi32, #tpu.memory_space<hbm>>
        tpu.wait_dma2 semaphore(%run_scoped3A : memref<!tpu.dma_semaphore, #tpu.memory_space<semaphore_mem>>) src(%dma_wait3A_21 : memref<160xi32, #tpu.memory_space<hbm>>) dst(%arg5 : memref<160xi32, #tpu.memory_space<vmem>>)
        tpu.yield
      }) : () -> ()
      %dma_start3A = arith.constant 0 : i32
      %dma_start3A_14 = arith.constant 0 : i32
      %dma_start3A_15 = tpu.memref_slice %arg3[%dma_start3A, %dma_start3A_14] : memref<4096x128xf32, #tpu.memory_space<hbm>> -> memref<4096x128xf32, #tpu.memory_space<hbm>>
      tpu.enqueue_indirect_dma source(%dma_start3A_15 : memref<4096x128xf32, #tpu.memory_space<hbm>>) target(%arg6 : memref<160x128xf32, #tpu.memory_space<vmem>>) offsets(%arg5 : memref<160xi32, #tpu.memory_space<vmem>>) semaphore(%arg7 : memref<!tpu.dma_semaphore, #tpu.memory_space<semaphore_mem>>)
      %dma_wait3A = arith.constant 0 : i32
      %dma_wait3A_16 = arith.constant 0 : i32
      %dma_wait3A_17 = tpu.memref_slice %arg3[%dma_wait3A, %dma_wait3A_16] : memref<4096x128xf32, #tpu.memory_space<hbm>> -> memref<4096x128xf32, #tpu.memory_space<hbm>>
      tpu.wait_indirect_dma semaphore(%arg7 : memref<!tpu.dma_semaphore, #tpu.memory_space<semaphore_mem>>) src(%dma_wait3A_17 : memref<4096x128xf32, #tpu.memory_space<hbm>>) dst(%arg6 : memref<160x128xf32, #tpu.memory_space<vmem>>)
      "tpu.region"() ({
        %run_scoped3A = tpu.sem_alloc : memref<!tpu.dma_semaphore, #tpu.memory_space<semaphore_mem>>
        %dma_start3A_18 = arith.constant 0 : i32
        %dma_start3A_19 = tpu.memref_slice %arg4[%mul3A_13, %dma_start3A_18] : memref<81920x128xf32, #tpu.memory_space<hbm>> -> memref<160x128xf32, #tpu.memory_space<hbm>>
        %dma_start3A_20 = arith.constant 0 : i32
        %dma_start3A_21 = tpu.memref_slice %arg4[%mul3A_13, %dma_start3A_20] : memref<81920x128xf32, #tpu.memory_space<hbm>> -> memref<160x128xf32, #tpu.memory_space<hbm>>
        tpu.enqueue_dma source(%arg6 : memref<160x128xf32, #tpu.memory_space<vmem>>) target(%dma_start3A_21 : memref<160x128xf32, #tpu.memory_space<hbm>>) target_semaphore(%run_scoped3A : memref<!tpu.dma_semaphore, #tpu.memory_space<semaphore_mem>>)
        %dma_wait3A_22 = arith.constant 0 : i32
        %dma_wait3A_23 = tpu.memref_slice %arg4[%mul3A_13, %dma_wait3A_22] : memref<81920x128xf32, #tpu.memory_space<hbm>> -> memref<160x128xf32, #tpu.memory_space<hbm>>
        %dma_wait3A_24 = arith.constant 0 : i32
        %dma_wait3A_25 = tpu.memref_slice %arg4[%mul3A_13, %dma_wait3A_24] : memref<81920x128xf32, #tpu.memory_space<hbm>> -> memref<160x128xf32, #tpu.memory_space<hbm>>
        tpu.wait_dma2 semaphore(%run_scoped3A : memref<!tpu.dma_semaphore, #tpu.memory_space<semaphore_mem>>) src(%arg6 : memref<160x128xf32, #tpu.memory_space<vmem>>) dst(%dma_wait3A_25 : memref<160x128xf32, #tpu.memory_space<hbm>>)
        tpu.yield
      }) : () -> ()
    }
    %scan3A_7 = arith.constant 16 : i32
    return
  }
}

#map = affine_map<(d0, d1) -> (0)>
#map1 = affine_map<(d0, d1) -> (0, 0)>
module attributes {stable_mosaic.version = 14 : i64} {
  func.func @gather(%arg0: i32, %arg1: i32, %arg2: memref<81920xi32, #tpu.memory_space<hbm>>, %arg3: memref<4096x128xf32, #tpu.memory_space<hbm>>, %arg4: memref<81920x128xf32, #tpu.memory_space<hbm>>, %arg5: memref<160xi32, #tpu.memory_space<vmem>>, %arg6: memref<160x128xf32, #tpu.memory_space<vmem>>, %arg7: memref<!tpu.dma_semaphore, #tpu.memory_space<semaphore_mem>>) attributes {dimension_semantics = [#tpu.dimension_semantics<core_parallel>, #tpu.dimension_semantics<subcore_parallel>], iteration_bounds = array<i64: 2, 16>, scalar_prefetch = 0 : i64, scratch_operands = 3 : i64, tpu.core_type = #tpu.core_type<sc_vector_subcore>, window_params = [{transform_indices = #map}, {transform_indices = #map1}, {transform_indices = #map1}]} {
    %mul3A = arith.constant 2 : i32
    %mul3A_0 = arith.muli %arg1, %mul3A : i32
    %add3A = arith.addi %mul3A_0, %arg0 : i32
    %mul3A_1 = arith.constant 128 : i32
    %mul3A_2 = arith.muli %add3A, %mul3A_1 : i32
    %scan3A = arith.constant 0 : i32
    %scan3A_3 = arith.constant 0 : i32
    %scan3A_4 = arith.constant 16 : i32
    %scan3A_5 = arith.addi %scan3A_3, %scan3A_4 : i32
    %scan3A_6 = arith.constant 1 : i32
    scf.for %scan3A_8 = %scan3A_3 to %scan3A_5 step %scan3A_6  : i32 {
      %mul3A_9 = arith.constant 8 : i32
      %mul3A_10 = arith.muli %scan3A_8, %mul3A_9 : i32
      %add3A_11 = arith.addi %mul3A_2, %mul3A_10 : i32
      %mul3A_12 = arith.constant 20 : i32
      %mul3A_13 = arith.muli %add3A_11, %mul3A_12 : i32
      "tpu.region"() ({
        %run_scoped3A = tpu.sem_alloc : memref<!tpu.dma_semaphore, #tpu.memory_space<semaphore_mem>>
        %dma_start3A_18 = tpu.memref_slice %arg2[%mul3A_13] : memref<81920xi32, #tpu.memory_space<hbm>> -> memref<160xi32, #tpu.memory_space<hbm>>
        %dma_start3A_19 = tpu.memref_slice %arg2[%mul3A_13] : memref<81920xi32, #tpu.memory_space<hbm>> -> memref<160xi32, #tpu.memory_space<hbm>>
        tpu.enqueue_dma source(%dma_start3A_19 : memref<160xi32, #tpu.memory_space<hbm>>) target(%arg5 : memref<160xi32, #tpu.memory_space<vmem>>) target_semaphore(%run_scoped3A : memref<!tpu.dma_semaphore, #tpu.memory_space<semaphore_mem>>)
        %dma_wait3A_20 = tpu.memref_slice %arg2[%mul3A_13] : memref<81920xi32, #tpu.memory_space<hbm>> -> memref<160xi32, #tpu.memory_space<hbm>>
        %dma_wait3A_21 = tpu.memref_slice %arg2[%mul3A_13] : memref<81920xi32, #tpu.memory_space<hbm>> -> memref<160xi32, #tpu.memory_space<hbm>>
        tpu.wait_dma2 semaphore(%run_scoped3A : memref<!tpu.dma_semaphore, #tpu.memory_space<semaphore_mem>>) src(%dma_wait3A_21 : memref<160xi32, #tpu.memory_space<hbm>>) dst(%arg5 : memref<160xi32, #tpu.memory_space<vmem>>)
        tpu.yield
      }) : () -> ()
      %dma_start3A = arith.constant 0 : i32
      %dma_start3A_14 = arith.constant 0 : i32
      %dma_start3A_15 = tpu.memref_slice %arg3[%dma_start3A, %dma_start3A_14] : memref<4096x128xf32, #tpu.memory_space<hbm>> -> memref<4096x128xf32, #tpu.memory_space<hbm>>
      tpu.enqueue_indirect_dma source(%dma_start3A_15 : memref<4096x128xf32, #tpu.memory_space<hbm>>) target(%arg6 : memref<160x128xf32, #tpu.memory_space<vmem>>) offsets(%arg5 : memref<160xi32, #tpu.memory_space<vmem>>) semaphore(%arg7 : memref<!tpu.dma_semaphore, #tpu.memory_space<semaphore_mem>>)
      %dma_wait3A = arith.constant 0 : i32
      %dma_wait3A_16 = arith.constant 0 : i32
      %dma_wait3A_17 = tpu.memref_slice %arg3[%dma_wait3A, %dma_wait3A_16] : memref<4096x128xf32, #tpu.memory_space<hbm>> -> memref<4096x128xf32, #tpu.memory_space<hbm>>
      tpu.wait_indirect_dma semaphore(%arg7 : memref<!tpu.dma_semaphore, #tpu.memory_space<semaphore_mem>>) src(%dma_wait3A_17 : memref<4096x128xf32, #tpu.memory_space<hbm>>) dst(%arg6 : memref<160x128xf32, #tpu.memory_space<vmem>>)
      "tpu.region"() ({
        %run_scoped3A = tpu.sem_alloc : memref<!tpu.dma_semaphore, #tpu.memory_space<semaphore_mem>>
        %dma_start3A_18 = arith.constant 0 : i32
        %dma_start3A_19 = tpu.memref_slice %arg4[%mul3A_13, %dma_start3A_18] : memref<81920x128xf32, #tpu.memory_space<hbm>> -> memref<160x128xf32, #tpu.memory_space<hbm>>
        %dma_start3A_20 = arith.constant 0 : i32
        %dma_start3A_21 = tpu.memref_slice %arg4[%mul3A_13, %dma_start3A_20] : memref<81920x128xf32, #tpu.memory_space<hbm>> -> memref<160x128xf32, #tpu.memory_space<hbm>>
        tpu.enqueue_dma source(%arg6 : memref<160x128xf32, #tpu.memory_space<vmem>>) target(%dma_start3A_21 : memref<160x128xf32, #tpu.memory_space<hbm>>) target_semaphore(%run_scoped3A : memref<!tpu.dma_semaphore, #tpu.memory_space<semaphore_mem>>)
        %dma_wait3A_22 = arith.constant 0 : i32
        %dma_wait3A_23 = tpu.memref_slice %arg4[%mul3A_13, %dma_wait3A_22] : memref<81920x128xf32, #tpu.memory_space<hbm>> -> memref<160x128xf32, #tpu.memory_space<hbm>>
        %dma_wait3A_24 = arith.constant 0 : i32
        %dma_wait3A_25 = tpu.memref_slice %arg4[%mul3A_13, %dma_wait3A_24] : memref<81920x128xf32, #tpu.memory_space<hbm>> -> memref<160x128xf32, #tpu.memory_space<hbm>>
        tpu.wait_dma2 semaphore(%run_scoped3A : memref<!tpu.dma_semaphore, #tpu.memory_space<semaphore_mem>>) src(%arg6 : memref<160x128xf32, #tpu.memory_space<vmem>>) dst(%dma_wait3A_25 : memref<160x128xf32, #tpu.memory_space<hbm>>)
        tpu.yield
      }) : () -> ()
    }
    %scan3A_7 = arith.constant 16 : i32
    return
  }
}

#map = affine_map<(d0, d1) -> (0)>
#map1 = affine_map<(d0, d1) -> (0, 0)>
module attributes {stable_mosaic.version = 14 : i64} {
  func.func @gather(%arg0: i32, %arg1: i32, %arg2: memref<81920xi32, #tpu.memory_space<hbm>>, %arg3: memref<4096x128xf32, #tpu.memory_space<hbm>>, %arg4: memref<81920x128xf32, #tpu.memory_space<hbm>>, %arg5: memref<160xi32, #tpu.memory_space<vmem>>, %arg6: memref<160x128xf32, #tpu.memory_space<vmem>>, %arg7: memref<!tpu.dma_semaphore, #tpu.memory_space<semaphore_mem>>) attributes {dimension_semantics = [#tpu.dimension_semantics<core_parallel>, #tpu.dimension_semantics<subcore_parallel>], iteration_bounds = array<i64: 2, 16>, scalar_prefetch = 0 : i64, scratch_operands = 3 : i64, tpu.core_type = #tpu.core_type<sc_vector_subcore>, window_params = [{transform_indices = #map}, {transform_indices = #map1}, {transform_indices = #map1}]} {
    %mul3A = arith.constant 2 : i32
    %mul3A_0 = arith.muli %arg1, %mul3A : i32
    %add3A = arith.addi %mul3A_0, %arg0 : i32
    %mul3A_1 = arith.constant 128 : i32
    %mul3A_2 = arith.muli %add3A, %mul3A_1 : i32
    %scan3A = arith.constant 0 : i32
    %scan3A_3 = arith.constant 0 : i32
    %scan3A_4 = arith.constant 16 : i32
    %scan3A_5 = arith.addi %scan3A_3, %scan3A_4 : i32
    %scan3A_6 = arith.constant 1 : i32
    scf.for %scan3A_8 = %scan3A_3 to %scan3A_5 step %scan3A_6  : i32 {
      %mul3A_9 = arith.constant 8 : i32
      %mul3A_10 = arith.muli %scan3A_8, %mul3A_9 : i32
      %add3A_11 = arith.addi %mul3A_2, %mul3A_10 : i32
      %mul3A_12 = arith.constant 20 : i32
      %mul3A_13 = arith.muli %add3A_11, %mul3A_12 : i32
      "tpu.region"() ({
        %run_scoped3A = tpu.sem_alloc : memref<!tpu.dma_semaphore, #tpu.memory_space<semaphore_mem>>
        %dma_start3A_18 = tpu.memref_slice %arg2[%mul3A_13] : memref<81920xi32, #tpu.memory_space<hbm>> -> memref<160xi32, #tpu.memory_space<hbm>>
        %dma_start3A_19 = tpu.memref_slice %arg2[%mul3A_13] : memref<81920xi32, #tpu.memory_space<hbm>> -> memref<160xi32, #tpu.memory_space<hbm>>
        tpu.enqueue_dma source(%dma_start3A_19 : memref<160xi32, #tpu.memory_space<hbm>>) target(%arg5 : memref<160xi32, #tpu.memory_space<vmem>>) target_semaphore(%run_scoped3A : memref<!tpu.dma_semaphore, #tpu.memory_space<semaphore_mem>>)
        %dma_wait3A_20 = tpu.memref_slice %arg2[%mul3A_13] : memref<81920xi32, #tpu.memory_space<hbm>> -> memref<160xi32, #tpu.memory_space<hbm>>
        %dma_wait3A_21 = tpu.memref_slice %arg2[%mul3A_13] : memref<81920xi32, #tpu.memory_space<hbm>> -> memref<160xi32, #tpu.memory_space<hbm>>
        tpu.wait_dma2 semaphore(%run_scoped3A : memref<!tpu.dma_semaphore, #tpu.memory_space<semaphore_mem>>) src(%dma_wait3A_21 : memref<160xi32, #tpu.memory_space<hbm>>) dst(%arg5 : memref<160xi32, #tpu.memory_space<vmem>>)
        tpu.yield
      }) : () -> ()
      %dma_start3A = arith.constant 0 : i32
      %dma_start3A_14 = arith.constant 0 : i32
      %dma_start3A_15 = tpu.memref_slice %arg3[%dma_start3A, %dma_start3A_14] : memref<4096x128xf32, #tpu.memory_space<hbm>> -> memref<4096x128xf32, #tpu.memory_space<hbm>>
      tpu.enqueue_indirect_dma source(%dma_start3A_15 : memref<4096x128xf32, #tpu.memory_space<hbm>>) target(%arg6 : memref<160x128xf32, #tpu.memory_space<vmem>>) offsets(%arg5 : memref<160xi32, #tpu.memory_space<vmem>>) semaphore(%arg7 : memref<!tpu.dma_semaphore, #tpu.memory_space<semaphore_mem>>)
      %dma_wait3A = arith.constant 0 : i32
      %dma_wait3A_16 = arith.constant 0 : i32
      %dma_wait3A_17 = tpu.memref_slice %arg3[%dma_wait3A, %dma_wait3A_16] : memref<4096x128xf32, #tpu.memory_space<hbm>> -> memref<4096x128xf32, #tpu.memory_space<hbm>>
      tpu.wait_indirect_dma semaphore(%arg7 : memref<!tpu.dma_semaphore, #tpu.memory_space<semaphore_mem>>) src(%dma_wait3A_17 : memref<4096x128xf32, #tpu.memory_space<hbm>>) dst(%arg6 : memref<160x128xf32, #tpu.memory_space<vmem>>)
      "tpu.region"() ({
        %run_scoped3A = tpu.sem_alloc : memref<!tpu.dma_semaphore, #tpu.memory_space<semaphore_mem>>
        %dma_start3A_18 = arith.constant 0 : i32
        %dma_start3A_19 = tpu.memref_slice %arg4[%mul3A_13, %dma_start3A_18] : memref<81920x128xf32, #tpu.memory_space<hbm>> -> memref<160x128xf32, #tpu.memory_space<hbm>>
        %dma_start3A_20 = arith.constant 0 : i32
        %dma_start3A_21 = tpu.memref_slice %arg4[%mul3A_13, %dma_start3A_20] : memref<81920x128xf32, #tpu.memory_space<hbm>> -> memref<160x128xf32, #tpu.memory_space<hbm>>
        tpu.enqueue_dma source(%arg6 : memref<160x128xf32, #tpu.memory_space<vmem>>) target(%dma_start3A_21 : memref<160x128xf32, #tpu.memory_space<hbm>>) target_semaphore(%run_scoped3A : memref<!tpu.dma_semaphore, #tpu.memory_space<semaphore_mem>>)
        %dma_wait3A_22 = arith.constant 0 : i32
        %dma_wait3A_23 = tpu.memref_slice %arg4[%mul3A_13, %dma_wait3A_22] : memref<81920x128xf32, #tpu.memory_space<hbm>> -> memref<160x128xf32, #tpu.memory_space<hbm>>
        %dma_wait3A_24 = arith.constant 0 : i32
        %dma_wait3A_25 = tpu.memref_slice %arg4[%mul3A_13, %dma_wait3A_24] : memref<81920x128xf32, #tpu.memory_space<hbm>> -> memref<160x128xf32, #tpu.memory_space<hbm>>
        tpu.wait_dma2 semaphore(%run_scoped3A : memref<!tpu.dma_semaphore, #tpu.memory_space<semaphore_mem>>) src(%arg6 : memref<160x128xf32, #tpu.memory_space<vmem>>) dst(%dma_wait3A_25 : memref<160x128xf32, #tpu.memory_space<hbm>>)
        tpu.yield
      }) : () -> ()
    }
    %scan3A_7 = arith.constant 16 : i32
    return
  }
}

#map = affine_map<(d0, d1) -> (0)>
#map1 = affine_map<(d0, d1) -> (0, 0)>
module attributes {stable_mosaic.version = 14 : i64} {
  func.func @gather(%arg0: i32, %arg1: i32, %arg2: memref<81920xi32, #tpu.memory_space<hbm>>, %arg3: memref<4096x128xf32, #tpu.memory_space<hbm>>, %arg4: memref<81920x128xf32, #tpu.memory_space<hbm>>, %arg5: memref<160xi32, #tpu.memory_space<vmem>>, %arg6: memref<160x128xf32, #tpu.memory_space<vmem>>, %arg7: memref<!tpu.dma_semaphore, #tpu.memory_space<semaphore_mem>>) attributes {dimension_semantics = [#tpu.dimension_semantics<core_parallel>, #tpu.dimension_semantics<subcore_parallel>], iteration_bounds = array<i64: 2, 16>, scalar_prefetch = 0 : i64, scratch_operands = 3 : i64, tpu.core_type = #tpu.core_type<sc_vector_subcore>, window_params = [{transform_indices = #map}, {transform_indices = #map1}, {transform_indices = #map1}]} {
    %mul3A = arith.constant 2 : i32
    %mul3A_0 = arith.muli %arg1, %mul3A : i32
    %add3A = arith.addi %mul3A_0, %arg0 : i32
    %mul3A_1 = arith.constant 128 : i32
    %mul3A_2 = arith.muli %add3A, %mul3A_1 : i32
    %scan3A = arith.constant 0 : i32
    %scan3A_3 = arith.constant 0 : i32
    %scan3A_4 = arith.constant 16 : i32
    %scan3A_5 = arith.addi %scan3A_3, %scan3A_4 : i32
    %scan3A_6 = arith.constant 1 : i32
    scf.for %scan3A_8 = %scan3A_3 to %scan3A_5 step %scan3A_6  : i32 {
      %mul3A_9 = arith.constant 8 : i32
      %mul3A_10 = arith.muli %scan3A_8, %mul3A_9 : i32
      %add3A_11 = arith.addi %mul3A_2, %mul3A_10 : i32
      %mul3A_12 = arith.constant 20 : i32
      %mul3A_13 = arith.muli %add3A_11, %mul3A_12 : i32
      "tpu.region"() ({
        %run_scoped3A = tpu.sem_alloc : memref<!tpu.dma_semaphore, #tpu.memory_space<semaphore_mem>>
        %dma_start3A_18 = tpu.memref_slice %arg2[%mul3A_13] : memref<81920xi32, #tpu.memory_space<hbm>> -> memref<160xi32, #tpu.memory_space<hbm>>
        %dma_start3A_19 = tpu.memref_slice %arg2[%mul3A_13] : memref<81920xi32, #tpu.memory_space<hbm>> -> memref<160xi32, #tpu.memory_space<hbm>>
        tpu.enqueue_dma source(%dma_start3A_19 : memref<160xi32, #tpu.memory_space<hbm>>) target(%arg5 : memref<160xi32, #tpu.memory_space<vmem>>) target_semaphore(%run_scoped3A : memref<!tpu.dma_semaphore, #tpu.memory_space<semaphore_mem>>)
        %dma_wait3A_20 = tpu.memref_slice %arg2[%mul3A_13] : memref<81920xi32, #tpu.memory_space<hbm>> -> memref<160xi32, #tpu.memory_space<hbm>>
        %dma_wait3A_21 = tpu.memref_slice %arg2[%mul3A_13] : memref<81920xi32, #tpu.memory_space<hbm>> -> memref<160xi32, #tpu.memory_space<hbm>>
        tpu.wait_dma2 semaphore(%run_scoped3A : memref<!tpu.dma_semaphore, #tpu.memory_space<semaphore_mem>>) src(%dma_wait3A_21 : memref<160xi32, #tpu.memory_space<hbm>>) dst(%arg5 : memref<160xi32, #tpu.memory_space<vmem>>)
        tpu.yield
      }) : () -> ()
      %dma_start3A = arith.constant 0 : i32
      %dma_start3A_14 = arith.constant 0 : i32
      %dma_start3A_15 = tpu.memref_slice %arg3[%dma_start3A, %dma_start3A_14] : memref<4096x128xf32, #tpu.memory_space<hbm>> -> memref<4096x128xf32, #tpu.memory_space<hbm>>
      tpu.enqueue_indirect_dma source(%dma_start3A_15 : memref<4096x128xf32, #tpu.memory_space<hbm>>) target(%arg6 : memref<160x128xf32, #tpu.memory_space<vmem>>) offsets(%arg5 : memref<160xi32, #tpu.memory_space<vmem>>) semaphore(%arg7 : memref<!tpu.dma_semaphore, #tpu.memory_space<semaphore_mem>>)
      %dma_wait3A = arith.constant 0 : i32
      %dma_wait3A_16 = arith.constant 0 : i32
      %dma_wait3A_17 = tpu.memref_slice %arg3[%dma_wait3A, %dma_wait3A_16] : memref<4096x128xf32, #tpu.memory_space<hbm>> -> memref<4096x128xf32, #tpu.memory_space<hbm>>
      tpu.wait_indirect_dma semaphore(%arg7 : memref<!tpu.dma_semaphore, #tpu.memory_space<semaphore_mem>>) src(%dma_wait3A_17 : memref<4096x128xf32, #tpu.memory_space<hbm>>) dst(%arg6 : memref<160x128xf32, #tpu.memory_space<vmem>>)
      "tpu.region"() ({
        %run_scoped3A = tpu.sem_alloc : memref<!tpu.dma_semaphore, #tpu.memory_space<semaphore_mem>>
        %dma_start3A_18 = arith.constant 0 : i32
        %dma_start3A_19 = tpu.memref_slice %arg4[%mul3A_13, %dma_start3A_18] : memref<81920x128xf32, #tpu.memory_space<hbm>> -> memref<160x128xf32, #tpu.memory_space<hbm>>
        %dma_start3A_20 = arith.constant 0 : i32
        %dma_start3A_21 = tpu.memref_slice %arg4[%mul3A_13, %dma_start3A_20] : memref<81920x128xf32, #tpu.memory_space<hbm>> -> memref<160x128xf32, #tpu.memory_space<hbm>>
        tpu.enqueue_dma source(%arg6 : memref<160x128xf32, #tpu.memory_space<vmem>>) target(%dma_start3A_21 : memref<160x128xf32, #tpu.memory_space<hbm>>) target_semaphore(%run_scoped3A : memref<!tpu.dma_semaphore, #tpu.memory_space<semaphore_mem>>)
        %dma_wait3A_22 = arith.constant 0 : i32
        %dma_wait3A_23 = tpu.memref_slice %arg4[%mul3A_13, %dma_wait3A_22] : memref<81920x128xf32, #tpu.memory_space<hbm>> -> memref<160x128xf32, #tpu.memory_space<hbm>>
        %dma_wait3A_24 = arith.constant 0 : i32
        %dma_wait3A_25 = tpu.memref_slice %arg4[%mul3A_13, %dma_wait3A_24] : memref<81920x128xf32, #tpu.memory_space<hbm>> -> memref<160x128xf32, #tpu.memory_space<hbm>>
        tpu.wait_dma2 semaphore(%run_scoped3A : memref<!tpu.dma_semaphore, #tpu.memory_space<semaphore_mem>>) src(%arg6 : memref<160x128xf32, #tpu.memory_space<vmem>>) dst(%dma_wait3A_25 : memref<160x128xf32, #tpu.memory_space<hbm>>)
        tpu.yield
      }) : () -> ()
    }
    %scan3A_7 = arith.constant 16 : i32
    return
  }
}

module attributes {stable_mosaic.version = 14 : i64} {
  func.func @_knn_body(%arg0: i32, %arg1: i32, %arg2: memref<1x256x128xf32, #tpu.memory_space<vmem>>, %arg3: memref<1x1024x128xf32, #tpu.memory_space<vmem>>, %arg4: memref<1x1x1024xf32, #tpu.memory_space<vmem>>, %arg5: memref<1x256x20xi32, #tpu.memory_space<vmem>>) attributes {dimension_semantics = [#tpu.dimension_semantics<arbitrary>, #tpu.dimension_semantics<arbitrary>], iteration_bounds = array<i64: 4, 4>, scalar_prefetch = 0 : i64, scratch_operands = 0 : i64, tpu.core_type = #tpu.core_type<tc>, window_params = [{transform_indices = @transform_0, window_bounds = array<i64: 1, 256, 128>}, {transform_indices = @transform_1, window_bounds = array<i64: 1, 1024, 128>}, {transform_indices = @transform_2, window_bounds = array<i64: 1, 1, 1024>}, {transform_indices = @transform_3, window_bounds = array<i64: 1, 256, 20>}]} {
    %get3A = arith.constant 0 : index
    %get3A_0 = arith.constant 0 : index
    %get3A_1 = arith.constant 0 : index
    %get3A_2 = vector.load %arg2[%get3A, %get3A_0, %get3A_1] : memref<1x256x128xf32, #tpu.memory_space<vmem>>, vector<1x256x128xf32>
    %get3A_3 = vector.shape_cast %get3A_2 : vector<1x256x128xf32> to vector<256x128xf32>
    %get3A_4 = arith.constant 0 : index
    %get3A_5 = arith.constant 0 : index
    %get3A_6 = arith.constant 0 : index
    %get3A_7 = vector.load %arg3[%get3A_4, %get3A_5, %get3A_6] : memref<1x1024x128xf32, #tpu.memory_space<vmem>>, vector<1x1024x128xf32>
    %get3A_8 = vector.shape_cast %get3A_7 : vector<1x1024x128xf32> to vector<1024x128xf32>
    %dot_general3A = arith.constant dense<0.000000e+00> : vector<256x1024xf32>
    %dot_general3A_9 = tpu.matmul %get3A_3, %get3A_8, %dot_general3A {dimension_numbers = #tpu.dot_dimension_numbers<[1], [1], [0], [0], [0, 0, 1, 0], [], []>, transpose_lhs_hint = false} : vector<256x128xf32>, vector<1024x128xf32>, vector<256x1024xf32> -> vector<256x1024xf32>
    %get3A_10 = arith.constant 0 : index
    %get3A_11 = arith.constant 0 : index
    %get3A_12 = arith.constant 0 : index
    %get3A_13 = vector.load %arg4[%get3A_10, %get3A_11, %get3A_12] : memref<1x1x1024xf32, #tpu.memory_space<vmem>>, vector<1x1x1024xf32>
    %get3A_14 = vector.shape_cast %get3A_13 : vector<1x1x1024xf32> to vector<1024xf32>
    %broadcast_in_dim3A = vector.shape_cast %get3A_14 : vector<1024xf32> to vector<1x1024xf32>
    %mul3A = arith.constant 256 : i32
    %mul3A_15 = arith.muli %arg1, %mul3A : i32
    %get3A_16 = arith.constant 0 : index
    %get3A_17 = arith.constant 0 : index
    %get3A_18 = arith.index_cast %mul3A_15 : i32 to index
    %get3A_19 = vector.load %arg4[%get3A_16, %get3A_17, %get3A_18] : memref<1x1x1024xf32, #tpu.memory_space<vmem>>, vector<1x1x256xf32>
    %get3A_20 = vector.shape_cast %get3A_19 : vector<1x1x256xf32> to vector<256xf32>
    %reshape3A = vector.shape_cast %get3A_20 : vector<256xf32> to vector<256x1xf32>
    %add3A = vector.broadcast %reshape3A : vector<256x1xf32> to vector<256x1024xf32>
    %add3A_21 = vector.broadcast %broadcast_in_dim3A : vector<1x1024xf32> to vector<256x1024xf32>
    %add3A_22 = arith.addf %add3A, %add3A_21 : vector<256x1024xf32>
    %mul3A_23 = arith.constant -2.000000e+00 : f32
    %mul3A_24 = vector.broadcast %mul3A_23 : f32 to vector<256x1024xf32>
    %mul3A_25 = arith.mulf %mul3A_24, %dot_general3A_9 : vector<256x1024xf32>
    %add3A_26 = arith.addf %add3A_22, %mul3A_25 : vector<256x1024xf32>
    %iota3A = tpu.iota {dimensions = array<i32: 1>} : vector<256x1024xi32>
    %reduce_min3A = arith.constant dense<0x7F800000> : vector<256xf32>
    %reduce_min3A_27 = vector.multi_reduction <minimumf>, %add3A_26, %reduce_min3A [1] : vector<256x1024xf32> to vector<256xf32>
    %broadcast_in_dim3A_28 = vector.shape_cast %reduce_min3A_27 : vector<256xf32> to vector<256x1xf32>
    %eq3A = vector.broadcast %broadcast_in_dim3A_28 : vector<256x1xf32> to vector<256x1024xf32>
    %eq3A_29 = arith.cmpf oeq, %add3A_26, %eq3A : vector<256x1024xf32>
    %jit3A = arith.constant 1024 : i32
    %broadcast_in_dim3A_30 = vector.broadcast %jit3A : i32 to vector<256x1024xi32>
    %select_n3A = arith.select %eq3A_29, %iota3A, %broadcast_in_dim3A_30 : vector<256x1024xi1>, vector<256x1024xi32>
    %reduce_min3A_31 = arith.constant dense<2147483647> : vector<256xi32>
    %reduce_min3A_32 = vector.multi_reduction <minsi>, %select_n3A, %reduce_min3A_31 [1] : vector<256x1024xi32> to vector<256xi32>
    %broadcast_in_dim3A_33 = vector.shape_cast %reduce_min3A_32 : vector<256xi32> to vector<256x1xi32>
    %eq3A_34 = vector.broadcast %broadcast_in_dim3A_33 : vector<256x1xi32> to vector<256x1024xi32>
    %eq3A_35 = arith.cmpi eq, %iota3A, %eq3A_34 : vector<256x1024xi32>
    %jit3A_36 = arith.constant 0x7F800000 : f32
    %broadcast_in_dim3A_37 = vector.broadcast %jit3A_36 : f32 to vector<256x1024xf32>
    %select_n3A_38 = arith.select %eq3A_35, %broadcast_in_dim3A_37, %add3A_26 : vector<256x1024xi1>, vector<256x1024xf32>
    %reduce_min3A_39 = arith.constant dense<0x7F800000> : vector<256xf32>
    %reduce_min3A_40 = vector.multi_reduction <minimumf>, %select_n3A_38, %reduce_min3A_39 [1] : vector<256x1024xf32> to vector<256xf32>
    %broadcast_in_dim3A_41 = vector.shape_cast %reduce_min3A_40 : vector<256xf32> to vector<256x1xf32>
    %eq3A_42 = vector.broadcast %broadcast_in_dim3A_41 : vector<256x1xf32> to vector<256x1024xf32>
    %eq3A_43 = arith.cmpf oeq, %select_n3A_38, %eq3A_42 : vector<256x1024xf32>
    %jit3A_44 = arith.constant 1024 : i32
    %broadcast_in_dim3A_45 = vector.broadcast %jit3A_44 : i32 to vector<256x1024xi32>
    %select_n3A_46 = arith.select %eq3A_43, %iota3A, %broadcast_in_dim3A_45 : vector<256x1024xi1>, vector<256x1024xi32>
    %reduce_min3A_47 = arith.constant dense<2147483647> : vector<256xi32>
    %reduce_min3A_48 = vector.multi_reduction <minsi>, %select_n3A_46, %reduce_min3A_47 [1] : vector<256x1024xi32> to vector<256xi32>
    %broadcast_in_dim3A_49 = vector.shape_cast %reduce_min3A_48 : vector<256xi32> to vector<256x1xi32>
    %eq3A_50 = vector.broadcast %broadcast_in_dim3A_49 : vector<256x1xi32> to vector<256x1024xi32>
    %eq3A_51 = arith.cmpi eq, %iota3A, %eq3A_50 : vector<256x1024xi32>
    %jit3A_52 = arith.constant 0x7F800000 : f32
    %broadcast_in_dim3A_53 = vector.broadcast %jit3A_52 : f32 to vector<256x1024xf32>
    %select_n3A_54 = arith.select %eq3A_51, %broadcast_in_dim3A_53, %select_n3A_38 : vector<256x1024xi1>, vector<256x1024xf32>
    %reduce_min3A_55 = arith.constant dense<0x7F800000> : vector<256xf32>
    %reduce_min3A_56 = vector.multi_reduction <minimumf>, %select_n3A_54, %reduce_min3A_55 [1] : vector<256x1024xf32> to vector<256xf32>
    %broadcast_in_dim3A_57 = vector.shape_cast %reduce_min3A_56 : vector<256xf32> to vector<256x1xf32>
    %eq3A_58 = vector.broadcast %broadcast_in_dim3A_57 : vector<256x1xf32> to vector<256x1024xf32>
    %eq3A_59 = arith.cmpf oeq, %select_n3A_54, %eq3A_58 : vector<256x1024xf32>
    %jit3A_60 = arith.constant 1024 : i32
    %broadcast_in_dim3A_61 = vector.broadcast %jit3A_60 : i32 to vector<256x1024xi32>
    %select_n3A_62 = arith.select %eq3A_59, %iota3A, %broadcast_in_dim3A_61 : vector<256x1024xi1>, vector<256x1024xi32>
    %reduce_min3A_63 = arith.constant dense<2147483647> : vector<256xi32>
    %reduce_min3A_64 = vector.multi_reduction <minsi>, %select_n3A_62, %reduce_min3A_63 [1] : vector<256x1024xi32> to vector<256xi32>
    %broadcast_in_dim3A_65 = vector.shape_cast %reduce_min3A_64 : vector<256xi32> to vector<256x1xi32>
    %eq3A_66 = vector.broadcast %broadcast_in_dim3A_65 : vector<256x1xi32> to vector<256x1024xi32>
    %eq3A_67 = arith.cmpi eq, %iota3A, %eq3A_66 : vector<256x1024xi32>
    %jit3A_68 = arith.constant 0x7F800000 : f32
    %broadcast_in_dim3A_69 = vector.broadcast %jit3A_68 : f32 to vector<256x1024xf32>
    %select_n3A_70 = arith.select %eq3A_67, %broadcast_in_dim3A_69, %select_n3A_54 : vector<256x1024xi1>, vector<256x1024xf32>
    %reduce_min3A_71 = arith.constant dense<0x7F800000> : vector<256xf32>
    %reduce_min3A_72 = vector.multi_reduction <minimumf>, %select_n3A_70, %reduce_min3A_71 [1] : vector<256x1024xf32> to vector<256xf32>
    %broadcast_in_dim3A_73 = vector.shape_cast %reduce_min3A_72 : vector<256xf32> to vector<256x1xf32>
    %eq3A_74 = vector.broadcast %broadcast_in_dim3A_73 : vector<256x1xf32> to vector<256x1024xf32>
    %eq3A_75 = arith.cmpf oeq, %select_n3A_70, %eq3A_74 : vector<256x1024xf32>
    %jit3A_76 = arith.constant 1024 : i32
    %broadcast_in_dim3A_77 = vector.broadcast %jit3A_76 : i32 to vector<256x1024xi32>
    %select_n3A_78 = arith.select %eq3A_75, %iota3A, %broadcast_in_dim3A_77 : vector<256x1024xi1>, vector<256x1024xi32>
    %reduce_min3A_79 = arith.constant dense<2147483647> : vector<256xi32>
    %reduce_min3A_80 = vector.multi_reduction <minsi>, %select_n3A_78, %reduce_min3A_79 [1] : vector<256x1024xi32> to vector<256xi32>
    %broadcast_in_dim3A_81 = vector.shape_cast %reduce_min3A_80 : vector<256xi32> to vector<256x1xi32>
    %eq3A_82 = vector.broadcast %broadcast_in_dim3A_81 : vector<256x1xi32> to vector<256x1024xi32>
    %eq3A_83 = arith.cmpi eq, %iota3A, %eq3A_82 : vector<256x1024xi32>
    %jit3A_84 = arith.constant 0x7F800000 : f32
    %broadcast_in_dim3A_85 = vector.broadcast %jit3A_84 : f32 to vector<256x1024xf32>
    %select_n3A_86 = arith.select %eq3A_83, %broadcast_in_dim3A_85, %select_n3A_70 : vector<256x1024xi1>, vector<256x1024xf32>
    %reduce_min3A_87 = arith.constant dense<0x7F800000> : vector<256xf32>
    %reduce_min3A_88 = vector.multi_reduction <minimumf>, %select_n3A_86, %reduce_min3A_87 [1] : vector<256x1024xf32> to vector<256xf32>
    %broadcast_in_dim3A_89 = vector.shape_cast %reduce_min3A_88 : vector<256xf32> to vector<256x1xf32>
    %eq3A_90 = vector.broadcast %broadcast_in_dim3A_89 : vector<256x1xf32> to vector<256x1024xf32>
    %eq3A_91 = arith.cmpf oeq, %select_n3A_86, %eq3A_90 : vector<256x1024xf32>
    %jit3A_92 = arith.constant 1024 : i32
    %broadcast_in_dim3A_93 = vector.broadcast %jit3A_92 : i32 to vector<256x1024xi32>
    %select_n3A_94 = arith.select %eq3A_91, %iota3A, %broadcast_in_dim3A_93 : vector<256x1024xi1>, vector<256x1024xi32>
    %reduce_min3A_95 = arith.constant dense<2147483647> : vector<256xi32>
    %reduce_min3A_96 = vector.multi_reduction <minsi>, %select_n3A_94, %reduce_min3A_95 [1] : vector<256x1024xi32> to vector<256xi32>
    %broadcast_in_dim3A_97 = vector.shape_cast %reduce_min3A_96 : vector<256xi32> to vector<256x1xi32>
    %eq3A_98 = vector.broadcast %broadcast_in_dim3A_97 : vector<256x1xi32> to vector<256x1024xi32>
    %eq3A_99 = arith.cmpi eq, %iota3A, %eq3A_98 : vector<256x1024xi32>
    %jit3A_100 = arith.constant 0x7F800000 : f32
    %broadcast_in_dim3A_101 = vector.broadcast %jit3A_100 : f32 to vector<256x1024xf32>
    %select_n3A_102 = arith.select %eq3A_99, %broadcast_in_dim3A_101, %select_n3A_86 : vector<256x1024xi1>, vector<256x1024xf32>
    %reduce_min3A_103 = arith.constant dense<0x7F800000> : vector<256xf32>
    %reduce_min3A_104 = vector.multi_reduction <minimumf>, %select_n3A_102, %reduce_min3A_103 [1] : vector<256x1024xf32> to vector<256xf32>
    %broadcast_in_dim3A_105 = vector.shape_cast %reduce_min3A_104 : vector<256xf32> to vector<256x1xf32>
    %eq3A_106 = vector.broadcast %broadcast_in_dim3A_105 : vector<256x1xf32> to vector<256x1024xf32>
    %eq3A_107 = arith.cmpf oeq, %select_n3A_102, %eq3A_106 : vector<256x1024xf32>
    %jit3A_108 = arith.constant 1024 : i32
    %broadcast_in_dim3A_109 = vector.broadcast %jit3A_108 : i32 to vector<256x1024xi32>
    %select_n3A_110 = arith.select %eq3A_107, %iota3A, %broadcast_in_dim3A_109 : vector<256x1024xi1>, vector<256x1024xi32>
    %reduce_min3A_111 = arith.constant dense<2147483647> : vector<256xi32>
    %reduce_min3A_112 = vector.multi_reduction <minsi>, %select_n3A_110, %reduce_min3A_111 [1] : vector<256x1024xi32> to vector<256xi32>
    %broadcast_in_dim3A_113 = vector.shape_cast %reduce_min3A_112 : vector<256xi32> to vector<256x1xi32>
    %eq3A_114 = vector.broadcast %broadcast_in_dim3A_113 : vector<256x1xi32> to vector<256x1024xi32>
    %eq3A_115 = arith.cmpi eq, %iota3A, %eq3A_114 : vector<256x1024xi32>
    %jit3A_116 = arith.constant 0x7F800000 : f32
    %broadcast_in_dim3A_117 = vector.broadcast %jit3A_116 : f32 to vector<256x1024xf32>
    %select_n3A_118 = arith.select %eq3A_115, %broadcast_in_dim3A_117, %select_n3A_102 : vector<256x1024xi1>, vector<256x1024xf32>
    %reduce_min3A_119 = arith.constant dense<0x7F800000> : vector<256xf32>
    %reduce_min3A_120 = vector.multi_reduction <minimumf>, %select_n3A_118, %reduce_min3A_119 [1] : vector<256x1024xf32> to vector<256xf32>
    %broadcast_in_dim3A_121 = vector.shape_cast %reduce_min3A_120 : vector<256xf32> to vector<256x1xf32>
    %eq3A_122 = vector.broadcast %broadcast_in_dim3A_121 : vector<256x1xf32> to vector<256x1024xf32>
    %eq3A_123 = arith.cmpf oeq, %select_n3A_118, %eq3A_122 : vector<256x1024xf32>
    %jit3A_124 = arith.constant 1024 : i32
    %broadcast_in_dim3A_125 = vector.broadcast %jit3A_124 : i32 to vector<256x1024xi32>
    %select_n3A_126 = arith.select %eq3A_123, %iota3A, %broadcast_in_dim3A_125 : vector<256x1024xi1>, vector<256x1024xi32>
    %reduce_min3A_127 = arith.constant dense<2147483647> : vector<256xi32>
    %reduce_min3A_128 = vector.multi_reduction <minsi>, %select_n3A_126, %reduce_min3A_127 [1] : vector<256x1024xi32> to vector<256xi32>
    %broadcast_in_dim3A_129 = vector.shape_cast %reduce_min3A_128 : vector<256xi32> to vector<256x1xi32>
    %eq3A_130 = vector.broadcast %broadcast_in_dim3A_129 : vector<256x1xi32> to vector<256x1024xi32>
    %eq3A_131 = arith.cmpi eq, %iota3A, %eq3A_130 : vector<256x1024xi32>
    %jit3A_132 = arith.constant 0x7F800000 : f32
    %broadcast_in_dim3A_133 = vector.broadcast %jit3A_132 : f32 to vector<256x1024xf32>
    %select_n3A_134 = arith.select %eq3A_131, %broadcast_in_dim3A_133, %select_n3A_118 : vector<256x1024xi1>, vector<256x1024xf32>
    %reduce_min3A_135 = arith.constant dense<0x7F800000> : vector<256xf32>
    %reduce_min3A_136 = vector.multi_reduction <minimumf>, %select_n3A_134, %reduce_min3A_135 [1] : vector<256x1024xf32> to vector<256xf32>
    %broadcast_in_dim3A_137 = vector.shape_cast %reduce_min3A_136 : vector<256xf32> to vector<256x1xf32>
    %eq3A_138 = vector.broadcast %broadcast_in_dim3A_137 : vector<256x1xf32> to vector<256x1024xf32>
    %eq3A_139 = arith.cmpf oeq, %select_n3A_134, %eq3A_138 : vector<256x1024xf32>
    %jit3A_140 = arith.constant 1024 : i32
    %broadcast_in_dim3A_141 = vector.broadcast %jit3A_140 : i32 to vector<256x1024xi32>
    %select_n3A_142 = arith.select %eq3A_139, %iota3A, %broadcast_in_dim3A_141 : vector<256x1024xi1>, vector<256x1024xi32>
    %reduce_min3A_143 = arith.constant dense<2147483647> : vector<256xi32>
    %reduce_min3A_144 = vector.multi_reduction <minsi>, %select_n3A_142, %reduce_min3A_143 [1] : vector<256x1024xi32> to vector<256xi32>
    %broadcast_in_dim3A_145 = vector.shape_cast %reduce_min3A_144 : vector<256xi32> to vector<256x1xi32>
    %eq3A_146 = vector.broadcast %broadcast_in_dim3A_145 : vector<256x1xi32> to vector<256x1024xi32>
    %eq3A_147 = arith.cmpi eq, %iota3A, %eq3A_146 : vector<256x1024xi32>
    %jit3A_148 = arith.constant 0x7F800000 : f32
    %broadcast_in_dim3A_149 = vector.broadcast %jit3A_148 : f32 to vector<256x1024xf32>
    %select_n3A_150 = arith.select %eq3A_147, %broadcast_in_dim3A_149, %select_n3A_134 : vector<256x1024xi1>, vector<256x1024xf32>
    %reduce_min3A_151 = arith.constant dense<0x7F800000> : vector<256xf32>
    %reduce_min3A_152 = vector.multi_reduction <minimumf>, %select_n3A_150, %reduce_min3A_151 [1] : vector<256x1024xf32> to vector<256xf32>
    %broadcast_in_dim3A_153 = vector.shape_cast %reduce_min3A_152 : vector<256xf32> to vector<256x1xf32>
    %eq3A_154 = vector.broadcast %broadcast_in_dim3A_153 : vector<256x1xf32> to vector<256x1024xf32>
    %eq3A_155 = arith.cmpf oeq, %select_n3A_150, %eq3A_154 : vector<256x1024xf32>
    %jit3A_156 = arith.constant 1024 : i32
    %broadcast_in_dim3A_157 = vector.broadcast %jit3A_156 : i32 to vector<256x1024xi32>
    %select_n3A_158 = arith.select %eq3A_155, %iota3A, %broadcast_in_dim3A_157 : vector<256x1024xi1>, vector<256x1024xi32>
    %reduce_min3A_159 = arith.constant dense<2147483647> : vector<256xi32>
    %reduce_min3A_160 = vector.multi_reduction <minsi>, %select_n3A_158, %reduce_min3A_159 [1] : vector<256x1024xi32> to vector<256xi32>
    %broadcast_in_dim3A_161 = vector.shape_cast %reduce_min3A_160 : vector<256xi32> to vector<256x1xi32>
    %eq3A_162 = vector.broadcast %broadcast_in_dim3A_161 : vector<256x1xi32> to vector<256x1024xi32>
    %eq3A_163 = arith.cmpi eq, %iota3A, %eq3A_162 : vector<256x1024xi32>
    %jit3A_164 = arith.constant 0x7F800000 : f32
    %broadcast_in_dim3A_165 = vector.broadcast %jit3A_164 : f32 to vector<256x1024xf32>
    %select_n3A_166 = arith.select %eq3A_163, %broadcast_in_dim3A_165, %select_n3A_150 : vector<256x1024xi1>, vector<256x1024xf32>
    %reduce_min3A_167 = arith.constant dense<0x7F800000> : vector<256xf32>
    %reduce_min3A_168 = vector.multi_reduction <minimumf>, %select_n3A_166, %reduce_min3A_167 [1] : vector<256x1024xf32> to vector<256xf32>
    %broadcast_in_dim3A_169 = vector.shape_cast %reduce_min3A_168 : vector<256xf32> to vector<256x1xf32>
    %eq3A_170 = vector.broadcast %broadcast_in_dim3A_169 : vector<256x1xf32> to vector<256x1024xf32>
    %eq3A_171 = arith.cmpf oeq, %select_n3A_166, %eq3A_170 : vector<256x1024xf32>
    %jit3A_172 = arith.constant 1024 : i32
    %broadcast_in_dim3A_173 = vector.broadcast %jit3A_172 : i32 to vector<256x1024xi32>
    %select_n3A_174 = arith.select %eq3A_171, %iota3A, %broadcast_in_dim3A_173 : vector<256x1024xi1>, vector<256x1024xi32>
    %reduce_min3A_175 = arith.constant dense<2147483647> : vector<256xi32>
    %reduce_min3A_176 = vector.multi_reduction <minsi>, %select_n3A_174, %reduce_min3A_175 [1] : vector<256x1024xi32> to vector<256xi32>
    %broadcast_in_dim3A_177 = vector.shape_cast %reduce_min3A_176 : vector<256xi32> to vector<256x1xi32>
    %eq3A_178 = vector.broadcast %broadcast_in_dim3A_177 : vector<256x1xi32> to vector<256x1024xi32>
    %eq3A_179 = arith.cmpi eq, %iota3A, %eq3A_178 : vector<256x1024xi32>
    %jit3A_180 = arith.constant 0x7F800000 : f32
    %broadcast_in_dim3A_181 = vector.broadcast %jit3A_180 : f32 to vector<256x1024xf32>
    %select_n3A_182 = arith.select %eq3A_179, %broadcast_in_dim3A_181, %select_n3A_166 : vector<256x1024xi1>, vector<256x1024xf32>
    %reduce_min3A_183 = arith.constant dense<0x7F800000> : vector<256xf32>
    %reduce_min3A_184 = vector.multi_reduction <minimumf>, %select_n3A_182, %reduce_min3A_183 [1] : vector<256x1024xf32> to vector<256xf32>
    %broadcast_in_dim3A_185 = vector.shape_cast %reduce_min3A_184 : vector<256xf32> to vector<256x1xf32>
    %eq3A_186 = vector.broadcast %broadcast_in_dim3A_185 : vector<256x1xf32> to vector<256x1024xf32>
    %eq3A_187 = arith.cmpf oeq, %select_n3A_182, %eq3A_186 : vector<256x1024xf32>
    %jit3A_188 = arith.constant 1024 : i32
    %broadcast_in_dim3A_189 = vector.broadcast %jit3A_188 : i32 to vector<256x1024xi32>
    %select_n3A_190 = arith.select %eq3A_187, %iota3A, %broadcast_in_dim3A_189 : vector<256x1024xi1>, vector<256x1024xi32>
    %reduce_min3A_191 = arith.constant dense<2147483647> : vector<256xi32>
    %reduce_min3A_192 = vector.multi_reduction <minsi>, %select_n3A_190, %reduce_min3A_191 [1] : vector<256x1024xi32> to vector<256xi32>
    %broadcast_in_dim3A_193 = vector.shape_cast %reduce_min3A_192 : vector<256xi32> to vector<256x1xi32>
    %eq3A_194 = vector.broadcast %broadcast_in_dim3A_193 : vector<256x1xi32> to vector<256x1024xi32>
    %eq3A_195 = arith.cmpi eq, %iota3A, %eq3A_194 : vector<256x1024xi32>
    %jit3A_196 = arith.constant 0x7F800000 : f32
    %broadcast_in_dim3A_197 = vector.broadcast %jit3A_196 : f32 to vector<256x1024xf32>
    %select_n3A_198 = arith.select %eq3A_195, %broadcast_in_dim3A_197, %select_n3A_182 : vector<256x1024xi1>, vector<256x1024xf32>
    %reduce_min3A_199 = arith.constant dense<0x7F800000> : vector<256xf32>
    %reduce_min3A_200 = vector.multi_reduction <minimumf>, %select_n3A_198, %reduce_min3A_199 [1] : vector<256x1024xf32> to vector<256xf32>
    %broadcast_in_dim3A_201 = vector.shape_cast %reduce_min3A_200 : vector<256xf32> to vector<256x1xf32>
    %eq3A_202 = vector.broadcast %broadcast_in_dim3A_201 : vector<256x1xf32> to vector<256x1024xf32>
    %eq3A_203 = arith.cmpf oeq, %select_n3A_198, %eq3A_202 : vector<256x1024xf32>
    %jit3A_204 = arith.constant 1024 : i32
    %broadcast_in_dim3A_205 = vector.broadcast %jit3A_204 : i32 to vector<256x1024xi32>
    %select_n3A_206 = arith.select %eq3A_203, %iota3A, %broadcast_in_dim3A_205 : vector<256x1024xi1>, vector<256x1024xi32>
    %reduce_min3A_207 = arith.constant dense<2147483647> : vector<256xi32>
    %reduce_min3A_208 = vector.multi_reduction <minsi>, %select_n3A_206, %reduce_min3A_207 [1] : vector<256x1024xi32> to vector<256xi32>
    %broadcast_in_dim3A_209 = vector.shape_cast %reduce_min3A_208 : vector<256xi32> to vector<256x1xi32>
    %eq3A_210 = vector.broadcast %broadcast_in_dim3A_209 : vector<256x1xi32> to vector<256x1024xi32>
    %eq3A_211 = arith.cmpi eq, %iota3A, %eq3A_210 : vector<256x1024xi32>
    %jit3A_212 = arith.constant 0x7F800000 : f32
    %broadcast_in_dim3A_213 = vector.broadcast %jit3A_212 : f32 to vector<256x1024xf32>
    %select_n3A_214 = arith.select %eq3A_211, %broadcast_in_dim3A_213, %select_n3A_198 : vector<256x1024xi1>, vector<256x1024xf32>
    %reduce_min3A_215 = arith.constant dense<0x7F800000> : vector<256xf32>
    %reduce_min3A_216 = vector.multi_reduction <minimumf>, %select_n3A_214, %reduce_min3A_215 [1] : vector<256x1024xf32> to vector<256xf32>
    %broadcast_in_dim3A_217 = vector.shape_cast %reduce_min3A_216 : vector<256xf32> to vector<256x1xf32>
    %eq3A_218 = vector.broadcast %broadcast_in_dim3A_217 : vector<256x1xf32> to vector<256x1024xf32>
    %eq3A_219 = arith.cmpf oeq, %select_n3A_214, %eq3A_218 : vector<256x1024xf32>
    %jit3A_220 = arith.constant 1024 : i32
    %broadcast_in_dim3A_221 = vector.broadcast %jit3A_220 : i32 to vector<256x1024xi32>
    %select_n3A_222 = arith.select %eq3A_219, %iota3A, %broadcast_in_dim3A_221 : vector<256x1024xi1>, vector<256x1024xi32>
    %reduce_min3A_223 = arith.constant dense<2147483647> : vector<256xi32>
    %reduce_min3A_224 = vector.multi_reduction <minsi>, %select_n3A_222, %reduce_min3A_223 [1] : vector<256x1024xi32> to vector<256xi32>
    %broadcast_in_dim3A_225 = vector.shape_cast %reduce_min3A_224 : vector<256xi32> to vector<256x1xi32>
    %eq3A_226 = vector.broadcast %broadcast_in_dim3A_225 : vector<256x1xi32> to vector<256x1024xi32>
    %eq3A_227 = arith.cmpi eq, %iota3A, %eq3A_226 : vector<256x1024xi32>
    %jit3A_228 = arith.constant 0x7F800000 : f32
    %broadcast_in_dim3A_229 = vector.broadcast %jit3A_228 : f32 to vector<256x1024xf32>
    %select_n3A_230 = arith.select %eq3A_227, %broadcast_in_dim3A_229, %select_n3A_214 : vector<256x1024xi1>, vector<256x1024xf32>
    %reduce_min3A_231 = arith.constant dense<0x7F800000> : vector<256xf32>
    %reduce_min3A_232 = vector.multi_reduction <minimumf>, %select_n3A_230, %reduce_min3A_231 [1] : vector<256x1024xf32> to vector<256xf32>
    %broadcast_in_dim3A_233 = vector.shape_cast %reduce_min3A_232 : vector<256xf32> to vector<256x1xf32>
    %eq3A_234 = vector.broadcast %broadcast_in_dim3A_233 : vector<256x1xf32> to vector<256x1024xf32>
    %eq3A_235 = arith.cmpf oeq, %select_n3A_230, %eq3A_234 : vector<256x1024xf32>
    %jit3A_236 = arith.constant 1024 : i32
    %broadcast_in_dim3A_237 = vector.broadcast %jit3A_236 : i32 to vector<256x1024xi32>
    %select_n3A_238 = arith.select %eq3A_235, %iota3A, %broadcast_in_dim3A_237 : vector<256x1024xi1>, vector<256x1024xi32>
    %reduce_min3A_239 = arith.constant dense<2147483647> : vector<256xi32>
    %reduce_min3A_240 = vector.multi_reduction <minsi>, %select_n3A_238, %reduce_min3A_239 [1] : vector<256x1024xi32> to vector<256xi32>
    %broadcast_in_dim3A_241 = vector.shape_cast %reduce_min3A_240 : vector<256xi32> to vector<256x1xi32>
    %eq3A_242 = vector.broadcast %broadcast_in_dim3A_241 : vector<256x1xi32> to vector<256x1024xi32>
    %eq3A_243 = arith.cmpi eq, %iota3A, %eq3A_242 : vector<256x1024xi32>
    %jit3A_244 = arith.constant 0x7F800000 : f32
    %broadcast_in_dim3A_245 = vector.broadcast %jit3A_244 : f32 to vector<256x1024xf32>
    %select_n3A_246 = arith.select %eq3A_243, %broadcast_in_dim3A_245, %select_n3A_230 : vector<256x1024xi1>, vector<256x1024xf32>
    %reduce_min3A_247 = arith.constant dense<0x7F800000> : vector<256xf32>
    %reduce_min3A_248 = vector.multi_reduction <minimumf>, %select_n3A_246, %reduce_min3A_247 [1] : vector<256x1024xf32> to vector<256xf32>
    %broadcast_in_dim3A_249 = vector.shape_cast %reduce_min3A_248 : vector<256xf32> to vector<256x1xf32>
    %eq3A_250 = vector.broadcast %broadcast_in_dim3A_249 : vector<256x1xf32> to vector<256x1024xf32>
    %eq3A_251 = arith.cmpf oeq, %select_n3A_246, %eq3A_250 : vector<256x1024xf32>
    %jit3A_252 = arith.constant 1024 : i32
    %broadcast_in_dim3A_253 = vector.broadcast %jit3A_252 : i32 to vector<256x1024xi32>
    %select_n3A_254 = arith.select %eq3A_251, %iota3A, %broadcast_in_dim3A_253 : vector<256x1024xi1>, vector<256x1024xi32>
    %reduce_min3A_255 = arith.constant dense<2147483647> : vector<256xi32>
    %reduce_min3A_256 = vector.multi_reduction <minsi>, %select_n3A_254, %reduce_min3A_255 [1] : vector<256x1024xi32> to vector<256xi32>
    %broadcast_in_dim3A_257 = vector.shape_cast %reduce_min3A_256 : vector<256xi32> to vector<256x1xi32>
    %eq3A_258 = vector.broadcast %broadcast_in_dim3A_257 : vector<256x1xi32> to vector<256x1024xi32>
    %eq3A_259 = arith.cmpi eq, %iota3A, %eq3A_258 : vector<256x1024xi32>
    %jit3A_260 = arith.constant 0x7F800000 : f32
    %broadcast_in_dim3A_261 = vector.broadcast %jit3A_260 : f32 to vector<256x1024xf32>
    %select_n3A_262 = arith.select %eq3A_259, %broadcast_in_dim3A_261, %select_n3A_246 : vector<256x1024xi1>, vector<256x1024xf32>
    %reduce_min3A_263 = arith.constant dense<0x7F800000> : vector<256xf32>
    %reduce_min3A_264 = vector.multi_reduction <minimumf>, %select_n3A_262, %reduce_min3A_263 [1] : vector<256x1024xf32> to vector<256xf32>
    %broadcast_in_dim3A_265 = vector.shape_cast %reduce_min3A_264 : vector<256xf32> to vector<256x1xf32>
    %eq3A_266 = vector.broadcast %broadcast_in_dim3A_265 : vector<256x1xf32> to vector<256x1024xf32>
    %eq3A_267 = arith.cmpf oeq, %select_n3A_262, %eq3A_266 : vector<256x1024xf32>
    %jit3A_268 = arith.constant 1024 : i32
    %broadcast_in_dim3A_269 = vector.broadcast %jit3A_268 : i32 to vector<256x1024xi32>
    %select_n3A_270 = arith.select %eq3A_267, %iota3A, %broadcast_in_dim3A_269 : vector<256x1024xi1>, vector<256x1024xi32>
    %reduce_min3A_271 = arith.constant dense<2147483647> : vector<256xi32>
    %reduce_min3A_272 = vector.multi_reduction <minsi>, %select_n3A_270, %reduce_min3A_271 [1] : vector<256x1024xi32> to vector<256xi32>
    %broadcast_in_dim3A_273 = vector.shape_cast %reduce_min3A_272 : vector<256xi32> to vector<256x1xi32>
    %eq3A_274 = vector.broadcast %broadcast_in_dim3A_273 : vector<256x1xi32> to vector<256x1024xi32>
    %eq3A_275 = arith.cmpi eq, %iota3A, %eq3A_274 : vector<256x1024xi32>
    %jit3A_276 = arith.constant 0x7F800000 : f32
    %broadcast_in_dim3A_277 = vector.broadcast %jit3A_276 : f32 to vector<256x1024xf32>
    %select_n3A_278 = arith.select %eq3A_275, %broadcast_in_dim3A_277, %select_n3A_262 : vector<256x1024xi1>, vector<256x1024xf32>
    %reduce_min3A_279 = arith.constant dense<0x7F800000> : vector<256xf32>
    %reduce_min3A_280 = vector.multi_reduction <minimumf>, %select_n3A_278, %reduce_min3A_279 [1] : vector<256x1024xf32> to vector<256xf32>
    %broadcast_in_dim3A_281 = vector.shape_cast %reduce_min3A_280 : vector<256xf32> to vector<256x1xf32>
    %eq3A_282 = vector.broadcast %broadcast_in_dim3A_281 : vector<256x1xf32> to vector<256x1024xf32>
    %eq3A_283 = arith.cmpf oeq, %select_n3A_278, %eq3A_282 : vector<256x1024xf32>
    %jit3A_284 = arith.constant 1024 : i32
    %broadcast_in_dim3A_285 = vector.broadcast %jit3A_284 : i32 to vector<256x1024xi32>
    %select_n3A_286 = arith.select %eq3A_283, %iota3A, %broadcast_in_dim3A_285 : vector<256x1024xi1>, vector<256x1024xi32>
    %reduce_min3A_287 = arith.constant dense<2147483647> : vector<256xi32>
    %reduce_min3A_288 = vector.multi_reduction <minsi>, %select_n3A_286, %reduce_min3A_287 [1] : vector<256x1024xi32> to vector<256xi32>
    %broadcast_in_dim3A_289 = vector.shape_cast %reduce_min3A_288 : vector<256xi32> to vector<256x1xi32>
    %eq3A_290 = vector.broadcast %broadcast_in_dim3A_289 : vector<256x1xi32> to vector<256x1024xi32>
    %eq3A_291 = arith.cmpi eq, %iota3A, %eq3A_290 : vector<256x1024xi32>
    %jit3A_292 = arith.constant 0x7F800000 : f32
    %broadcast_in_dim3A_293 = vector.broadcast %jit3A_292 : f32 to vector<256x1024xf32>
    %select_n3A_294 = arith.select %eq3A_291, %broadcast_in_dim3A_293, %select_n3A_278 : vector<256x1024xi1>, vector<256x1024xf32>
    %reduce_min3A_295 = arith.constant dense<0x7F800000> : vector<256xf32>
    %reduce_min3A_296 = vector.multi_reduction <minimumf>, %select_n3A_294, %reduce_min3A_295 [1] : vector<256x1024xf32> to vector<256xf32>
    %broadcast_in_dim3A_297 = vector.shape_cast %reduce_min3A_296 : vector<256xf32> to vector<256x1xf32>
    %eq3A_298 = vector.broadcast %broadcast_in_dim3A_297 : vector<256x1xf32> to vector<256x1024xf32>
    %eq3A_299 = arith.cmpf oeq, %select_n3A_294, %eq3A_298 : vector<256x1024xf32>
    %jit3A_300 = arith.constant 1024 : i32
    %broadcast_in_dim3A_301 = vector.broadcast %jit3A_300 : i32 to vector<256x1024xi32>
    %select_n3A_302 = arith.select %eq3A_299, %iota3A, %broadcast_in_dim3A_301 : vector<256x1024xi1>, vector<256x1024xi32>
    %reduce_min3A_303 = arith.constant dense<2147483647> : vector<256xi32>
    %reduce_min3A_304 = vector.multi_reduction <minsi>, %select_n3A_302, %reduce_min3A_303 [1] : vector<256x1024xi32> to vector<256xi32>
    %broadcast_in_dim3A_305 = vector.shape_cast %reduce_min3A_304 : vector<256xi32> to vector<256x1xi32>
    %eq3A_306 = vector.broadcast %broadcast_in_dim3A_305 : vector<256x1xi32> to vector<256x1024xi32>
    %eq3A_307 = arith.cmpi eq, %iota3A, %eq3A_306 : vector<256x1024xi32>
    %jit3A_308 = arith.constant 0x7F800000 : f32
    %broadcast_in_dim3A_309 = vector.broadcast %jit3A_308 : f32 to vector<256x1024xf32>
    %select_n3A_310 = arith.select %eq3A_307, %broadcast_in_dim3A_309, %select_n3A_294 : vector<256x1024xi1>, vector<256x1024xf32>
    %reduce_min3A_311 = arith.constant dense<0x7F800000> : vector<256xf32>
    %reduce_min3A_312 = vector.multi_reduction <minimumf>, %select_n3A_310, %reduce_min3A_311 [1] : vector<256x1024xf32> to vector<256xf32>
    %broadcast_in_dim3A_313 = vector.shape_cast %reduce_min3A_312 : vector<256xf32> to vector<256x1xf32>
    %eq3A_314 = vector.broadcast %broadcast_in_dim3A_313 : vector<256x1xf32> to vector<256x1024xf32>
    %eq3A_315 = arith.cmpf oeq, %select_n3A_310, %eq3A_314 : vector<256x1024xf32>
    %jit3A_316 = arith.constant 1024 : i32
    %broadcast_in_dim3A_317 = vector.broadcast %jit3A_316 : i32 to vector<256x1024xi32>
    %select_n3A_318 = arith.select %eq3A_315, %iota3A, %broadcast_in_dim3A_317 : vector<256x1024xi1>, vector<256x1024xi32>
    %reduce_min3A_319 = arith.constant dense<2147483647> : vector<256xi32>
    %reduce_min3A_320 = vector.multi_reduction <minsi>, %select_n3A_318, %reduce_min3A_319 [1] : vector<256x1024xi32> to vector<256xi32>
    %broadcast_in_dim3A_321 = vector.shape_cast %reduce_min3A_320 : vector<256xi32> to vector<256x1xi32>
    %eq3A_322 = vector.broadcast %broadcast_in_dim3A_321 : vector<256x1xi32> to vector<256x1024xi32>
    %eq3A_323 = arith.cmpi eq, %iota3A, %eq3A_322 : vector<256x1024xi32>
    %jit3A_324 = arith.constant 0x7F800000 : f32
    %broadcast_in_dim3A_325 = vector.broadcast %jit3A_324 : f32 to vector<256x1024xf32>
    %select_n3A_326 = arith.select %eq3A_323, %broadcast_in_dim3A_325, %select_n3A_310 : vector<256x1024xi1>, vector<256x1024xf32>
    %reduce_min3A_327 = arith.constant dense<0x7F800000> : vector<256xf32>
    %reduce_min3A_328 = vector.multi_reduction <minimumf>, %select_n3A_326, %reduce_min3A_327 [1] : vector<256x1024xf32> to vector<256xf32>
    %broadcast_in_dim3A_329 = vector.shape_cast %reduce_min3A_328 : vector<256xf32> to vector<256x1xf32>
    %eq3A_330 = vector.broadcast %broadcast_in_dim3A_329 : vector<256x1xf32> to vector<256x1024xf32>
    %eq3A_331 = arith.cmpf oeq, %select_n3A_326, %eq3A_330 : vector<256x1024xf32>
    %jit3A_332 = arith.constant 1024 : i32
    %broadcast_in_dim3A_333 = vector.broadcast %jit3A_332 : i32 to vector<256x1024xi32>
    %select_n3A_334 = arith.select %eq3A_331, %iota3A, %broadcast_in_dim3A_333 : vector<256x1024xi1>, vector<256x1024xi32>
    %reduce_min3A_335 = arith.constant dense<2147483647> : vector<256xi32>
    %reduce_min3A_336 = vector.multi_reduction <minsi>, %select_n3A_334, %reduce_min3A_335 [1] : vector<256x1024xi32> to vector<256xi32>
    %broadcast_in_dim3A_337 = vector.shape_cast %reduce_min3A_336 : vector<256xi32> to vector<256x1xi32>
    %concatenate3A = tpu.concatenate %broadcast_in_dim3A_33, %broadcast_in_dim3A_49, %broadcast_in_dim3A_65, %broadcast_in_dim3A_81, %broadcast_in_dim3A_97, %broadcast_in_dim3A_113, %broadcast_in_dim3A_129, %broadcast_in_dim3A_145, %broadcast_in_dim3A_161, %broadcast_in_dim3A_177, %broadcast_in_dim3A_193, %broadcast_in_dim3A_209, %broadcast_in_dim3A_225, %broadcast_in_dim3A_241, %broadcast_in_dim3A_257, %broadcast_in_dim3A_273, %broadcast_in_dim3A_289, %broadcast_in_dim3A_305, %broadcast_in_dim3A_321, %broadcast_in_dim3A_337 in 1 : vector<256x1xi32>, vector<256x1xi32>, vector<256x1xi32>, vector<256x1xi32>, vector<256x1xi32>, vector<256x1xi32>, vector<256x1xi32>, vector<256x1xi32>, vector<256x1xi32>, vector<256x1xi32>, vector<256x1xi32>, vector<256x1xi32>, vector<256x1xi32>, vector<256x1xi32>, vector<256x1xi32>, vector<256x1xi32>, vector<256x1xi32>, vector<256x1xi32>, vector<256x1xi32>, vector<256x1xi32> -> vector<256x20xi32>
    %mul3A_338 = arith.constant 1024 : i32
    %mul3A_339 = arith.muli %arg0, %mul3A_338 : i32
    %add3A_340 = vector.broadcast %mul3A_339 : i32 to vector<256x20xi32>
    %add3A_341 = arith.addi %concatenate3A, %add3A_340 : vector<256x20xi32>
    %swap3A = arith.constant 0 : index
    %swap3A_342 = arith.constant 0 : index
    %swap3A_343 = arith.constant 0 : index
    %swap3A_344 = vector.load %arg5[%swap3A, %swap3A_342, %swap3A_343] : memref<1x256x20xi32, #tpu.memory_space<vmem>>, vector<1x256x20xi32>
    %swap3A_345 = vector.shape_cast %swap3A_344 : vector<1x256x20xi32> to vector<256x20xi32>
    %swap3A_346 = vector.shape_cast %add3A_341 : vector<256x20xi32> to vector<1x256x20xi32>
    tpu.vector_store %arg5[%swap3A, %swap3A_342, %swap3A_343], %swap3A_346 {strides = array<i32>} : memref<1x256x20xi32, #tpu.memory_space<vmem>>, vector<1x256x20xi32>,
    return
  }
  func.func @transform_0(%arg0: i32, %arg1: i32) -> (i32, i32, i32) {
    %c0_i32 = arith.constant 0 : i32
    %c0_i32_0 = arith.constant 0 : i32
    return %arg0, %arg1, %c0_i32 : i32, i32, i32
  }
  func.func @transform_1(%arg0: i32, %arg1: i32) -> (i32, i32, i32) {
    %c0_i32 = arith.constant 0 : i32
    %c0_i32_0 = arith.constant 0 : i32
    %c0_i32_1 = arith.constant 0 : i32
    return %arg0, %c0_i32, %c0_i32_0 : i32, i32, i32
  }
  func.func @transform_2(%arg0: i32, %arg1: i32) -> (i32, i32, i32) {
    %c0_i32 = arith.constant 0 : i32
    %c0_i32_0 = arith.constant 0 : i32
    %c0_i32_1 = arith.constant 0 : i32
    return %arg0, %c0_i32, %c0_i32_0 : i32, i32, i32
  }
  func.func @transform_3(%arg0: i32, %arg1: i32) -> (i32, i32, i32) {
    %c0_i32 = arith.constant 0 : i32
    %c0_i32_0 = arith.constant 0 : i32
    return %arg0, %arg1, %c0_i32 : i32, i32, i32
  }
}

module attributes {stable_mosaic.version = 14 : i64} {
  func.func @_edge_d_body(%arg0: i32, %arg1: memref<1280x128xf32, #tpu.memory_space<vmem>>, %arg2: memref<64x128xf32, #tpu.memory_space<vmem>>, %arg3: memref<8x64xf32, #tpu.memory_space<vmem>>, %arg4: memref<1x64x64x20xf32, #tpu.memory_space<vmem>>, %arg5: memref<64x64xf32, #tpu.memory_space<vmem>>) attributes {dimension_semantics = [#tpu.dimension_semantics<arbitrary>], iteration_bounds = array<i64: 64>, scalar_prefetch = 0 : i64, scratch_operands = 0 : i64, tpu.core_type = #tpu.core_type<tc>, window_params = [{transform_indices = @transform_0, window_bounds = array<i64: 1280, 128>}, {transform_indices = @transform_1, window_bounds = array<i64: 64, 128>}, {pipeline_mode = #tpu.pipeline_mode<synchronous>, transform_indices = @transform_2, window_bounds = array<i64: 8, 64>}, {transform_indices = @transform_3, window_bounds = array<i64: 1, 64, 64, 20>}, {transform_indices = @transform_4, window_bounds = array<i64: 64, 64>}]} {
    %get3A = arith.constant 0 : index
    %get3A_0 = arith.constant 0 : index
    %get3A_1 = vector.load %arg1[%get3A, %get3A_0] : memref<1280x128xf32, #tpu.memory_space<vmem>>, vector<1280x128xf32>
    %slice3A = vector.extract_strided_slice %get3A_1 {offsets = [0, 0], sizes = [1280, 4], strides = [1, 1]} : vector<1280x128xf32> to vector<1280x4xf32>
    %get3A_2 = arith.constant 0 : index
    %get3A_3 = arith.constant 0 : index
    %get3A_4 = vector.load %arg2[%get3A_2, %get3A_3] : memref<64x128xf32, #tpu.memory_space<vmem>>, vector<64x128xf32>
    %slice3A_5 = vector.extract_strided_slice %get3A_4 {offsets = [0, 0], sizes = [64, 4], strides = [1, 1]} : vector<64x128xf32> to vector<64x4xf32>
    %broadcast_in_dim3A = vector.shape_cast %slice3A_5 : vector<64x4xf32> to vector<64x1x4xf32>
    %broadcast_in_dim3A_6 = vector.shape_cast %broadcast_in_dim3A : vector<64x1x4xf32> to vector<64x1x4xf32>
    %broadcast_in_dim3A_7 = vector.broadcast %broadcast_in_dim3A_6 : vector<64x1x4xf32> to vector<64x20x4xf32>
    %reshape3A = vector.shape_cast %broadcast_in_dim3A_7 : vector<64x20x4xf32> to vector<1280x4xf32>
    %sub3A = arith.subf %slice3A, %reshape3A : vector<1280x4xf32>
    %concatenate3A = tpu.concatenate %sub3A, %reshape3A in 1 : vector<1280x4xf32>, vector<1280x4xf32> -> vector<1280x8xf32>
    %get3A_8 = arith.constant 0 : index
    %get3A_9 = arith.constant 0 : index
    %get3A_10 = vector.load %arg3[%get3A_8, %get3A_9] : memref<8x64xf32, #tpu.memory_space<vmem>>, vector<8x64xf32>
    %dot_general3A = arith.constant dense<0.000000e+00> : vector<1280x64xf32>
    %dot_general3A_11 = tpu.matmul %concatenate3A, %get3A_10, %dot_general3A {dimension_numbers = #tpu.dot_dimension_numbers<[1], [0], [0], [1], [0, 0, 1, 1], [], []>, transpose_lhs_hint = false} : vector<1280x8xf32>, vector<8x64xf32>, vector<1280x64xf32> -> vector<1280x64xf32>
    %reshape3A_12 = vector.shape_cast %dot_general3A_11 : vector<1280x64xf32> to vector<64x20x64xf32>
    %reduce_max3A = arith.constant dense<0xFF800000> : vector<64x64xf32>
    %reduce_max3A_13 = vector.multi_reduction <maximumf>, %reshape3A_12, %reduce_max3A [1] : vector<64x20x64xf32> to vector<64x64xf32>
    %swap3A = arith.constant 0 : index
    %swap3A_14 = arith.constant 0 : index
    %swap3A_15 = vector.load %arg5[%swap3A, %swap3A_14] : memref<64x64xf32, #tpu.memory_space<vmem>>, vector<64x64xf32>
    tpu.vector_store %arg5[%swap3A, %swap3A_14], %reduce_max3A_13 {strides = array<i32>} : memref<64x64xf32, #tpu.memory_space<vmem>>, vector<64x64xf32>,
    %transpose3A = tpu.transpose %dot_general3A_11, [1, 0] : vector<1280x64xf32> -> vector<64x1280xf32>
    %reshape3A_16 = vector.shape_cast %transpose3A : vector<64x1280xf32> to vector<64x64x20xf32>
    %swap3A_17 = arith.constant 0 : index
    %swap3A_18 = arith.constant 0 : index
    %swap3A_19 = arith.constant 0 : index
    %swap3A_20 = arith.constant 0 : index
    %swap3A_21 = vector.load %arg4[%swap3A_17, %swap3A_18, %swap3A_19, %swap3A_20] : memref<1x64x64x20xf32, #tpu.memory_space<vmem>>, vector<1x64x64x20xf32>
    %swap3A_22 = vector.shape_cast %swap3A_21 : vector<1x64x64x20xf32> to vector<64x64x20xf32>
    %swap3A_23 = vector.shape_cast %reshape3A_16 : vector<64x64x20xf32> to vector<1x64x64x20xf32>
    tpu.vector_store %arg4[%swap3A_17, %swap3A_18, %swap3A_19, %swap3A_20], %swap3A_23 {strides = array<i32>} : memref<1x64x64x20xf32, #tpu.memory_space<vmem>>, vector<1x64x64x20xf32>,
    return
  }
  func.func @transform_0(%arg0: i32) -> (i32, i32) {
    %c0_i32 = arith.constant 0 : i32
    %c0_i32_0 = arith.constant 0 : i32
    return %arg0, %c0_i32 : i32, i32
  }
  func.func @transform_1(%arg0: i32) -> (i32, i32) {
    %c0_i32 = arith.constant 0 : i32
    %c0_i32_0 = arith.constant 0 : i32
    return %arg0, %c0_i32 : i32, i32
  }
  func.func @transform_2(%arg0: i32) -> (i32, i32) {
    %c0_i32 = arith.constant 0 : i32
    %c0_i32_0 = arith.constant 0 : i32
    %c0_i32_1 = arith.constant 0 : i32
    return %c0_i32, %c0_i32_0 : i32, i32
  }
  func.func @transform_3(%arg0: i32) -> (i32, i32, i32, i32) {
    %jit3A = arith.constant 16 : i32
    %div3A = arith.divsi %arg0, %jit3A : i32
    %sign3A = arith.constant 0 : i32
    %sign3A_0 = arith.cmpi sgt, %arg0, %sign3A : i32
    %sign3A_1 = arith.extui %sign3A_0 : i1 to i32
    %sign3A_2 = arith.constant 0 : i32
    %sign3A_3 = arith.cmpi slt, %arg0, %sign3A_2 : i32
    %sign3A_4 = arith.extui %sign3A_3 : i1 to i32
    %sign3A_5 = arith.subi %sign3A_1, %sign3A_4 : i32
    %sign3A_6 = arith.constant 0 : i32
    %sign3A_7 = arith.cmpi sgt, %jit3A, %sign3A_6 : i32
    %sign3A_8 = arith.extui %sign3A_7 : i1 to i32
    %sign3A_9 = arith.constant 0 : i32
    %sign3A_10 = arith.cmpi slt, %jit3A, %sign3A_9 : i32
    %sign3A_11 = arith.extui %sign3A_10 : i1 to i32
    %sign3A_12 = arith.subi %sign3A_8, %sign3A_11 : i32
    %ne3A = arith.cmpi ne, %sign3A_5, %sign3A_12 : i32
    %rem3A = arith.remsi %arg0, %jit3A : i32
    %ne3A_13 = arith.constant 0 : i32
    %ne3A_14 = arith.cmpi ne, %rem3A, %ne3A_13 : i32
    %and3A = arith.andi %ne3A, %ne3A_14 : i1
    %sub3A = arith.constant 1 : i32
    %sub3A_15 = arith.subi %div3A, %sub3A : i32
    %select_n3A = arith.select %and3A, %sub3A_15, %div3A : i32
    %jit3A_16 = arith.constant 16 : i32
    %eq3A = arith.constant 0 : i32
    %eq3A_17 = arith.cmpi eq, %jit3A_16, %eq3A : i32
    %jit3A_18 = arith.constant 1 : i32
    %select_n3A_19 = arith.select %eq3A_17, %jit3A_18, %jit3A_16 : i32
    %rem3A_20 = arith.remsi %arg0, %select_n3A_19 : i32
    %ne3A_21 = arith.constant 0 : i32
    %ne3A_22 = arith.cmpi ne, %rem3A_20, %ne3A_21 : i32
    %lt3A = arith.constant 0 : i32
    %lt3A_23 = arith.cmpi slt, %rem3A_20, %lt3A : i32
    %lt3A_24 = arith.constant 0 : i32
    %lt3A_25 = arith.cmpi slt, %select_n3A_19, %lt3A_24 : i32
    %ne3A_26 = arith.xori %lt3A_23, %lt3A_25 : i1
    %and3A_27 = arith.andi %ne3A_26, %ne3A_22 : i1
    %add3A = arith.addi %rem3A_20, %select_n3A_19 : i32
    %select_n3A_28 = arith.select %and3A_27, %add3A, %rem3A_20 : i32
    %c0_i32 = arith.constant 0 : i32
    %c0_i32_29 = arith.constant 0 : i32
    %c0_i32_30 = arith.constant 0 : i32
    return %select_n3A, %c0_i32, %select_n3A_28, %c0_i32_29 : i32, i32, i32, i32
  }
  func.func @transform_4(%arg0: i32) -> (i32, i32) {
    %c0_i32 = arith.constant 0 : i32
    %c0_i32_0 = arith.constant 0 : i32
    return %arg0, %c0_i32 : i32, i32
  }
}

module attributes {stable_mosaic.version = 14 : i64} {
  func.func @_edge_e_body(%arg0: memref<4096x64xf32, #tpu.memory_space<vmem>>, %arg1: memref<1x64xf32, #tpu.memory_space<vmem>>, %arg2: memref<1x64xf32, #tpu.memory_space<vmem>>, %arg3: memref<1x64xf32, #tpu.memory_space<vmem>>, %arg4: memref<1x64xf32, #tpu.memory_space<vmem>>, %arg5: memref<4096x128xf32, #tpu.memory_space<vmem>>) attributes {dimension_semantics = [], scalar_prefetch = 0 : i64, scratch_operands = 0 : i64, tpu.core_type = #tpu.core_type<tc>} {
    %get3A = arith.constant 0 : index
    %get3A_0 = arith.constant 0 : index
    %get3A_1 = vector.load %arg0[%get3A, %get3A_0] : memref<4096x64xf32, #tpu.memory_space<vmem>>, vector<4096x64xf32>
    %get3A_2 = arith.constant 0 : index
    %get3A_3 = arith.constant 0 : index
    %get3A_4 = vector.load %arg1[%get3A_2, %get3A_3] : memref<1x64xf32, #tpu.memory_space<vmem>>, vector<1x64xf32>
    %get3A_5 = vector.shape_cast %get3A_4 : vector<1x64xf32> to vector<64xf32>
    %broadcast_in_dim3A = vector.shape_cast %get3A_5 : vector<64xf32> to vector<1x64xf32>
    %sub3A = vector.broadcast %broadcast_in_dim3A : vector<1x64xf32> to vector<4096x64xf32>
    %sub3A_6 = arith.subf %get3A_1, %sub3A : vector<4096x64xf32>
    %get3A_7 = arith.constant 0 : index
    %get3A_8 = arith.constant 0 : index
    %get3A_9 = vector.load %arg2[%get3A_7, %get3A_8] : memref<1x64xf32, #tpu.memory_space<vmem>>, vector<1x64xf32>
    %get3A_10 = vector.shape_cast %get3A_9 : vector<1x64xf32> to vector<64xf32>
    %add3A = arith.constant 9.99999974E-6 : f32
    %add3A_11 = vector.broadcast %add3A : f32 to vector<64xf32>
    %add3A_12 = arith.addf %get3A_10, %add3A_11 : vector<64xf32>
    %sqrt3A = math.sqrt %add3A_12 : vector<64xf32>
    %broadcast_in_dim3A_13 = vector.shape_cast %sqrt3A : vector<64xf32> to vector<1x64xf32>
    %div3A = vector.broadcast %broadcast_in_dim3A_13 : vector<1x64xf32> to vector<4096x64xf32>
    %div3A_14 = arith.divf %sub3A_6, %div3A : vector<4096x64xf32>
    %get3A_15 = arith.constant 0 : index
    %get3A_16 = arith.constant 0 : index
    %get3A_17 = vector.load %arg3[%get3A_15, %get3A_16] : memref<1x64xf32, #tpu.memory_space<vmem>>, vector<1x64xf32>
    %get3A_18 = vector.shape_cast %get3A_17 : vector<1x64xf32> to vector<64xf32>
    %broadcast_in_dim3A_19 = vector.shape_cast %get3A_18 : vector<64xf32> to vector<1x64xf32>
    %mul3A = vector.broadcast %broadcast_in_dim3A_19 : vector<1x64xf32> to vector<4096x64xf32>
    %mul3A_20 = arith.mulf %div3A_14, %mul3A : vector<4096x64xf32>
    %get3A_21 = arith.constant 0 : index
    %get3A_22 = arith.constant 0 : index
    %get3A_23 = vector.load %arg4[%get3A_21, %get3A_22] : memref<1x64xf32, #tpu.memory_space<vmem>>, vector<1x64xf32>
    %get3A_24 = vector.shape_cast %get3A_23 : vector<1x64xf32> to vector<64xf32>
    %broadcast_in_dim3A_25 = vector.shape_cast %get3A_24 : vector<64xf32> to vector<1x64xf32>
    %add3A_26 = vector.broadcast %broadcast_in_dim3A_25 : vector<1x64xf32> to vector<4096x64xf32>
    %add3A_27 = arith.addf %mul3A_20, %add3A_26 : vector<4096x64xf32>
    %max3A = arith.constant 0.000000e+00 : f32
    %max3A_28 = vector.broadcast %max3A : f32 to vector<4096x64xf32>
    %max3A_29 = arith.maximumf %add3A_27, %max3A_28 : vector<4096x64xf32>
    %broadcast_in_dim3A_30 = arith.constant 0.000000e+00 : f32
    %broadcast_in_dim3A_31 = vector.broadcast %broadcast_in_dim3A_30 : f32 to vector<4096x64xf32>
    %concatenate3A = tpu.concatenate %max3A_29, %broadcast_in_dim3A_31 in 1 : vector<4096x64xf32>, vector<4096x64xf32> -> vector<4096x128xf32>
    %swap3A = arith.constant 0 : index
    %swap3A_32 = arith.constant 0 : index
    %swap3A_33 = vector.load %arg5[%swap3A, %swap3A_32] : memref<4096x128xf32, #tpu.memory_space<vmem>>, vector<4096x128xf32>
    tpu.vector_store %arg5[%swap3A, %swap3A_32], %concatenate3A {strides = array<i32>} : memref<4096x128xf32, #tpu.memory_space<vmem>>, vector<4096x128xf32>,
    return
  }
}

module attributes {stable_mosaic.version = 14 : i64} {
  func.func @_edge_d_body(%arg0: i32, %arg1: memref<1280x128xf32, #tpu.memory_space<vmem>>, %arg2: memref<64x128xf32, #tpu.memory_space<vmem>>, %arg3: memref<128x64xf32, #tpu.memory_space<vmem>>, %arg4: memref<1x64x64x20xf32, #tpu.memory_space<vmem>>, %arg5: memref<64x64xf32, #tpu.memory_space<vmem>>) attributes {dimension_semantics = [#tpu.dimension_semantics<arbitrary>], iteration_bounds = array<i64: 64>, scalar_prefetch = 0 : i64, scratch_operands = 0 : i64, tpu.core_type = #tpu.core_type<tc>, window_params = [{transform_indices = @transform_0, window_bounds = array<i64: 1280, 128>}, {transform_indices = @transform_1, window_bounds = array<i64: 64, 128>}, {pipeline_mode = #tpu.pipeline_mode<synchronous>, transform_indices = @transform_2, window_bounds = array<i64: 128, 64>}, {transform_indices = @transform_3, window_bounds = array<i64: 1, 64, 64, 20>}, {transform_indices = @transform_4, window_bounds = array<i64: 64, 64>}]} {
    %get3A = arith.constant 0 : index
    %get3A_0 = arith.constant 0 : index
    %get3A_1 = vector.load %arg1[%get3A, %get3A_0] : memref<1280x128xf32, #tpu.memory_space<vmem>>, vector<1280x128xf32>
    %slice3A = vector.extract_strided_slice %get3A_1 {offsets = [0, 0], sizes = [1280, 64], strides = [1, 1]} : vector<1280x128xf32> to vector<1280x64xf32>
    %get3A_2 = arith.constant 0 : index
    %get3A_3 = arith.constant 0 : index
    %get3A_4 = vector.load %arg2[%get3A_2, %get3A_3] : memref<64x128xf32, #tpu.memory_space<vmem>>, vector<64x128xf32>
    %slice3A_5 = vector.extract_strided_slice %get3A_4 {offsets = [0, 0], sizes = [64, 64], strides = [1, 1]} : vector<64x128xf32> to vector<64x64xf32>
    %broadcast_in_dim3A = vector.shape_cast %slice3A_5 : vector<64x64xf32> to vector<64x1x64xf32>
    %broadcast_in_dim3A_6 = vector.shape_cast %broadcast_in_dim3A : vector<64x1x64xf32> to vector<64x1x64xf32>
    %broadcast_in_dim3A_7 = vector.broadcast %broadcast_in_dim3A_6 : vector<64x1x64xf32> to vector<64x20x64xf32>
    %reshape3A = vector.shape_cast %broadcast_in_dim3A_7 : vector<64x20x64xf32> to vector<1280x64xf32>
    %sub3A = arith.subf %slice3A, %reshape3A : vector<1280x64xf32>
    %concatenate3A = tpu.concatenate %sub3A, %reshape3A in 1 : vector<1280x64xf32>, vector<1280x64xf32> -> vector<1280x128xf32>
    %get3A_8 = arith.constant 0 : index
    %get3A_9 = arith.constant 0 : index
    %get3A_10 = vector.load %arg3[%get3A_8, %get3A_9] : memref<128x64xf32, #tpu.memory_space<vmem>>, vector<128x64xf32>
    %dot_general3A = arith.constant dense<0.000000e+00> : vector<1280x64xf32>
    %dot_general3A_11 = tpu.matmul %concatenate3A, %get3A_10, %dot_general3A {dimension_numbers = #tpu.dot_dimension_numbers<[1], [0], [0], [1], [0, 0, 1, 1], [], []>, transpose_lhs_hint = false} : vector<1280x128xf32>, vector<128x64xf32>, vector<1280x64xf32> -> vector<1280x64xf32>
    %reshape3A_12 = vector.shape_cast %dot_general3A_11 : vector<1280x64xf32> to vector<64x20x64xf32>
    %reduce_max3A = arith.constant dense<0xFF800000> : vector<64x64xf32>
    %reduce_max3A_13 = vector.multi_reduction <maximumf>, %reshape3A_12, %reduce_max3A [1] : vector<64x20x64xf32> to vector<64x64xf32>
    %swap3A = arith.constant 0 : index
    %swap3A_14 = arith.constant 0 : index
    %swap3A_15 = vector.load %arg5[%swap3A, %swap3A_14] : memref<64x64xf32, #tpu.memory_space<vmem>>, vector<64x64xf32>
    tpu.vector_store %arg5[%swap3A, %swap3A_14], %reduce_max3A_13 {strides = array<i32>} : memref<64x64xf32, #tpu.memory_space<vmem>>, vector<64x64xf32>,
    %transpose3A = tpu.transpose %dot_general3A_11, [1, 0] : vector<1280x64xf32> -> vector<64x1280xf32>
    %reshape3A_16 = vector.shape_cast %transpose3A : vector<64x1280xf32> to vector<64x64x20xf32>
    %swap3A_17 = arith.constant 0 : index
    %swap3A_18 = arith.constant 0 : index
    %swap3A_19 = arith.constant 0 : index
    %swap3A_20 = arith.constant 0 : index
    %swap3A_21 = vector.load %arg4[%swap3A_17, %swap3A_18, %swap3A_19, %swap3A_20] : memref<1x64x64x20xf32, #tpu.memory_space<vmem>>, vector<1x64x64x20xf32>
    %swap3A_22 = vector.shape_cast %swap3A_21 : vector<1x64x64x20xf32> to vector<64x64x20xf32>
    %swap3A_23 = vector.shape_cast %reshape3A_16 : vector<64x64x20xf32> to vector<1x64x64x20xf32>
    tpu.vector_store %arg4[%swap3A_17, %swap3A_18, %swap3A_19, %swap3A_20], %swap3A_23 {strides = array<i32>} : memref<1x64x64x20xf32, #tpu.memory_space<vmem>>, vector<1x64x64x20xf32>,
    return
  }
  func.func @transform_0(%arg0: i32) -> (i32, i32) {
    %c0_i32 = arith.constant 0 : i32
    %c0_i32_0 = arith.constant 0 : i32
    return %arg0, %c0_i32 : i32, i32
  }
  func.func @transform_1(%arg0: i32) -> (i32, i32) {
    %c0_i32 = arith.constant 0 : i32
    %c0_i32_0 = arith.constant 0 : i32
    return %arg0, %c0_i32 : i32, i32
  }
  func.func @transform_2(%arg0: i32) -> (i32, i32) {
    %c0_i32 = arith.constant 0 : i32
    %c0_i32_0 = arith.constant 0 : i32
    %c0_i32_1 = arith.constant 0 : i32
    return %c0_i32, %c0_i32_0 : i32, i32
  }
  func.func @transform_3(%arg0: i32) -> (i32, i32, i32, i32) {
    %jit3A = arith.constant 16 : i32
    %div3A = arith.divsi %arg0, %jit3A : i32
    %sign3A = arith.constant 0 : i32
    %sign3A_0 = arith.cmpi sgt, %arg0, %sign3A : i32
    %sign3A_1 = arith.extui %sign3A_0 : i1 to i32
    %sign3A_2 = arith.constant 0 : i32
    %sign3A_3 = arith.cmpi slt, %arg0, %sign3A_2 : i32
    %sign3A_4 = arith.extui %sign3A_3 : i1 to i32
    %sign3A_5 = arith.subi %sign3A_1, %sign3A_4 : i32
    %sign3A_6 = arith.constant 0 : i32
    %sign3A_7 = arith.cmpi sgt, %jit3A, %sign3A_6 : i32
    %sign3A_8 = arith.extui %sign3A_7 : i1 to i32
    %sign3A_9 = arith.constant 0 : i32
    %sign3A_10 = arith.cmpi slt, %jit3A, %sign3A_9 : i32
    %sign3A_11 = arith.extui %sign3A_10 : i1 to i32
    %sign3A_12 = arith.subi %sign3A_8, %sign3A_11 : i32
    %ne3A = arith.cmpi ne, %sign3A_5, %sign3A_12 : i32
    %rem3A = arith.remsi %arg0, %jit3A : i32
    %ne3A_13 = arith.constant 0 : i32
    %ne3A_14 = arith.cmpi ne, %rem3A, %ne3A_13 : i32
    %and3A = arith.andi %ne3A, %ne3A_14 : i1
    %sub3A = arith.constant 1 : i32
    %sub3A_15 = arith.subi %div3A, %sub3A : i32
    %select_n3A = arith.select %and3A, %sub3A_15, %div3A : i32
    %jit3A_16 = arith.constant 16 : i32
    %eq3A = arith.constant 0 : i32
    %eq3A_17 = arith.cmpi eq, %jit3A_16, %eq3A : i32
    %jit3A_18 = arith.constant 1 : i32
    %select_n3A_19 = arith.select %eq3A_17, %jit3A_18, %jit3A_16 : i32
    %rem3A_20 = arith.remsi %arg0, %select_n3A_19 : i32
    %ne3A_21 = arith.constant 0 : i32
    %ne3A_22 = arith.cmpi ne, %rem3A_20, %ne3A_21 : i32
    %lt3A = arith.constant 0 : i32
    %lt3A_23 = arith.cmpi slt, %rem3A_20, %lt3A : i32
    %lt3A_24 = arith.constant 0 : i32
    %lt3A_25 = arith.cmpi slt, %select_n3A_19, %lt3A_24 : i32
    %ne3A_26 = arith.xori %lt3A_23, %lt3A_25 : i1
    %and3A_27 = arith.andi %ne3A_26, %ne3A_22 : i1
    %add3A = arith.addi %rem3A_20, %select_n3A_19 : i32
    %select_n3A_28 = arith.select %and3A_27, %add3A, %rem3A_20 : i32
    %c0_i32 = arith.constant 0 : i32
    %c0_i32_29 = arith.constant 0 : i32
    %c0_i32_30 = arith.constant 0 : i32
    return %select_n3A, %c0_i32, %select_n3A_28, %c0_i32_29 : i32, i32, i32, i32
  }
  func.func @transform_4(%arg0: i32) -> (i32, i32) {
    %c0_i32 = arith.constant 0 : i32
    %c0_i32_0 = arith.constant 0 : i32
    return %arg0, %c0_i32 : i32, i32
  }
}

module attributes {stable_mosaic.version = 14 : i64} {
  func.func @_edge_d_body(%arg0: i32, %arg1: memref<1280x128xf32, #tpu.memory_space<vmem>>, %arg2: memref<64x128xf32, #tpu.memory_space<vmem>>, %arg3: memref<128x128xf32, #tpu.memory_space<vmem>>, %arg4: memref<1x128x64x20xf32, #tpu.memory_space<vmem>>, %arg5: memref<64x128xf32, #tpu.memory_space<vmem>>) attributes {dimension_semantics = [#tpu.dimension_semantics<arbitrary>], iteration_bounds = array<i64: 64>, scalar_prefetch = 0 : i64, scratch_operands = 0 : i64, tpu.core_type = #tpu.core_type<tc>, window_params = [{transform_indices = @transform_0, window_bounds = array<i64: 1280, 128>}, {transform_indices = @transform_1, window_bounds = array<i64: 64, 128>}, {pipeline_mode = #tpu.pipeline_mode<synchronous>, transform_indices = @transform_2, window_bounds = array<i64: 128, 128>}, {transform_indices = @transform_3, window_bounds = array<i64: 1, 128, 64, 20>}, {transform_indices = @transform_4, window_bounds = array<i64: 64, 128>}]} {
    %get3A = arith.constant 0 : index
    %get3A_0 = arith.constant 0 : index
    %get3A_1 = vector.load %arg1[%get3A, %get3A_0] : memref<1280x128xf32, #tpu.memory_space<vmem>>, vector<1280x128xf32>
    %slice3A = vector.extract_strided_slice %get3A_1 {offsets = [0, 0], sizes = [1280, 64], strides = [1, 1]} : vector<1280x128xf32> to vector<1280x64xf32>
    %get3A_2 = arith.constant 0 : index
    %get3A_3 = arith.constant 0 : index
    %get3A_4 = vector.load %arg2[%get3A_2, %get3A_3] : memref<64x128xf32, #tpu.memory_space<vmem>>, vector<64x128xf32>
    %slice3A_5 = vector.extract_strided_slice %get3A_4 {offsets = [0, 0], sizes = [64, 64], strides = [1, 1]} : vector<64x128xf32> to vector<64x64xf32>
    %broadcast_in_dim3A = vector.shape_cast %slice3A_5 : vector<64x64xf32> to vector<64x1x64xf32>
    %broadcast_in_dim3A_6 = vector.shape_cast %broadcast_in_dim3A : vector<64x1x64xf32> to vector<64x1x64xf32>
    %broadcast_in_dim3A_7 = vector.broadcast %broadcast_in_dim3A_6 : vector<64x1x64xf32> to vector<64x20x64xf32>
    %reshape3A = vector.shape_cast %broadcast_in_dim3A_7 : vector<64x20x64xf32> to vector<1280x64xf32>
    %sub3A = arith.subf %slice3A, %reshape3A : vector<1280x64xf32>
    %concatenate3A = tpu.concatenate %sub3A, %reshape3A in 1 : vector<1280x64xf32>, vector<1280x64xf32> -> vector<1280x128xf32>
    %get3A_8 = arith.constant 0 : index
    %get3A_9 = arith.constant 0 : index
    %get3A_10 = vector.load %arg3[%get3A_8, %get3A_9] : memref<128x128xf32, #tpu.memory_space<vmem>>, vector<128x128xf32>
    %dot_general3A = arith.constant dense<0.000000e+00> : vector<1280x128xf32>
    %dot_general3A_11 = tpu.matmul %concatenate3A, %get3A_10, %dot_general3A {dimension_numbers = #tpu.dot_dimension_numbers<[1], [0], [0], [1], [0, 0, 1, 1], [], []>, transpose_lhs_hint = false} : vector<1280x128xf32>, vector<128x128xf32>, vector<1280x128xf32> -> vector<1280x128xf32>
    %reshape3A_12 = vector.shape_cast %dot_general3A_11 : vector<1280x128xf32> to vector<64x20x128xf32>
    %reduce_max3A = arith.constant dense<0xFF800000> : vector<64x128xf32>
    %reduce_max3A_13 = vector.multi_reduction <maximumf>, %reshape3A_12, %reduce_max3A [1] : vector<64x20x128xf32> to vector<64x128xf32>
    %swap3A = arith.constant 0 : index
    %swap3A_14 = arith.constant 0 : index
    %swap3A_15 = vector.load %arg5[%swap3A, %swap3A_14] : memref<64x128xf32, #tpu.memory_space<vmem>>, vector<64x128xf32>
    tpu.vector_store %arg5[%swap3A, %swap3A_14], %reduce_max3A_13 {strides = array<i32>} : memref<64x128xf32, #tpu.memory_space<vmem>>, vector<64x128xf32>,
    %transpose3A = tpu.transpose %dot_general3A_11, [1, 0] : vector<1280x128xf32> -> vector<128x1280xf32>
    %reshape3A_16 = vector.shape_cast %transpose3A : vector<128x1280xf32> to vector<128x64x20xf32>
    %swap3A_17 = arith.constant 0 : index
    %swap3A_18 = arith.constant 0 : index
    %swap3A_19 = arith.constant 0 : index
    %swap3A_20 = arith.constant 0 : index
    %swap3A_21 = vector.load %arg4[%swap3A_17, %swap3A_18, %swap3A_19, %swap3A_20] : memref<1x128x64x20xf32, #tpu.memory_space<vmem>>, vector<1x128x64x20xf32>
    %swap3A_22 = vector.shape_cast %swap3A_21 : vector<1x128x64x20xf32> to vector<128x64x20xf32>
    %swap3A_23 = vector.shape_cast %reshape3A_16 : vector<128x64x20xf32> to vector<1x128x64x20xf32>
    tpu.vector_store %arg4[%swap3A_17, %swap3A_18, %swap3A_19, %swap3A_20], %swap3A_23 {strides = array<i32>} : memref<1x128x64x20xf32, #tpu.memory_space<vmem>>, vector<1x128x64x20xf32>,
    return
  }
  func.func @transform_0(%arg0: i32) -> (i32, i32) {
    %c0_i32 = arith.constant 0 : i32
    %c0_i32_0 = arith.constant 0 : i32
    return %arg0, %c0_i32 : i32, i32
  }
  func.func @transform_1(%arg0: i32) -> (i32, i32) {
    %c0_i32 = arith.constant 0 : i32
    %c0_i32_0 = arith.constant 0 : i32
    return %arg0, %c0_i32 : i32, i32
  }
  func.func @transform_2(%arg0: i32) -> (i32, i32) {
    %c0_i32 = arith.constant 0 : i32
    %c0_i32_0 = arith.constant 0 : i32
    %c0_i32_1 = arith.constant 0 : i32
    return %c0_i32, %c0_i32_0 : i32, i32
  }
  func.func @transform_3(%arg0: i32) -> (i32, i32, i32, i32) {
    %jit3A = arith.constant 16 : i32
    %div3A = arith.divsi %arg0, %jit3A : i32
    %sign3A = arith.constant 0 : i32
    %sign3A_0 = arith.cmpi sgt, %arg0, %sign3A : i32
    %sign3A_1 = arith.extui %sign3A_0 : i1 to i32
    %sign3A_2 = arith.constant 0 : i32
    %sign3A_3 = arith.cmpi slt, %arg0, %sign3A_2 : i32
    %sign3A_4 = arith.extui %sign3A_3 : i1 to i32
    %sign3A_5 = arith.subi %sign3A_1, %sign3A_4 : i32
    %sign3A_6 = arith.constant 0 : i32
    %sign3A_7 = arith.cmpi sgt, %jit3A, %sign3A_6 : i32
    %sign3A_8 = arith.extui %sign3A_7 : i1 to i32
    %sign3A_9 = arith.constant 0 : i32
    %sign3A_10 = arith.cmpi slt, %jit3A, %sign3A_9 : i32
    %sign3A_11 = arith.extui %sign3A_10 : i1 to i32
    %sign3A_12 = arith.subi %sign3A_8, %sign3A_11 : i32
    %ne3A = arith.cmpi ne, %sign3A_5, %sign3A_12 : i32
    %rem3A = arith.remsi %arg0, %jit3A : i32
    %ne3A_13 = arith.constant 0 : i32
    %ne3A_14 = arith.cmpi ne, %rem3A, %ne3A_13 : i32
    %and3A = arith.andi %ne3A, %ne3A_14 : i1
    %sub3A = arith.constant 1 : i32
    %sub3A_15 = arith.subi %div3A, %sub3A : i32
    %select_n3A = arith.select %and3A, %sub3A_15, %div3A : i32
    %jit3A_16 = arith.constant 16 : i32
    %eq3A = arith.constant 0 : i32
    %eq3A_17 = arith.cmpi eq, %jit3A_16, %eq3A : i32
    %jit3A_18 = arith.constant 1 : i32
    %select_n3A_19 = arith.select %eq3A_17, %jit3A_18, %jit3A_16 : i32
    %rem3A_20 = arith.remsi %arg0, %select_n3A_19 : i32
    %ne3A_21 = arith.constant 0 : i32
    %ne3A_22 = arith.cmpi ne, %rem3A_20, %ne3A_21 : i32
    %lt3A = arith.constant 0 : i32
    %lt3A_23 = arith.cmpi slt, %rem3A_20, %lt3A : i32
    %lt3A_24 = arith.constant 0 : i32
    %lt3A_25 = arith.cmpi slt, %select_n3A_19, %lt3A_24 : i32
    %ne3A_26 = arith.xori %lt3A_23, %lt3A_25 : i1
    %and3A_27 = arith.andi %ne3A_26, %ne3A_22 : i1
    %add3A = arith.addi %rem3A_20, %select_n3A_19 : i32
    %select_n3A_28 = arith.select %and3A_27, %add3A, %rem3A_20 : i32
    %c0_i32 = arith.constant 0 : i32
    %c0_i32_29 = arith.constant 0 : i32
    %c0_i32_30 = arith.constant 0 : i32
    return %select_n3A, %c0_i32, %select_n3A_28, %c0_i32_29 : i32, i32, i32, i32
  }
  func.func @transform_4(%arg0: i32) -> (i32, i32) {
    %c0_i32 = arith.constant 0 : i32
    %c0_i32_0 = arith.constant 0 : i32
    return %arg0, %c0_i32 : i32, i32
  }
}

module attributes {stable_mosaic.version = 14 : i64} {
  func.func @_edge_e_body(%arg0: memref<4096x128xf32, #tpu.memory_space<vmem>>, %arg1: memref<1x128xf32, #tpu.memory_space<vmem>>, %arg2: memref<1x128xf32, #tpu.memory_space<vmem>>, %arg3: memref<1x128xf32, #tpu.memory_space<vmem>>, %arg4: memref<1x128xf32, #tpu.memory_space<vmem>>, %arg5: memref<4096x128xf32, #tpu.memory_space<vmem>>) attributes {dimension_semantics = [], scalar_prefetch = 0 : i64, scratch_operands = 0 : i64, tpu.core_type = #tpu.core_type<tc>} {
    %get3A = arith.constant 0 : index
    %get3A_0 = arith.constant 0 : index
    %get3A_1 = vector.load %arg0[%get3A, %get3A_0] : memref<4096x128xf32, #tpu.memory_space<vmem>>, vector<4096x128xf32>
    %get3A_2 = arith.constant 0 : index
    %get3A_3 = arith.constant 0 : index
    %get3A_4 = vector.load %arg1[%get3A_2, %get3A_3] : memref<1x128xf32, #tpu.memory_space<vmem>>, vector<1x128xf32>
    %get3A_5 = vector.shape_cast %get3A_4 : vector<1x128xf32> to vector<128xf32>
    %broadcast_in_dim3A = vector.shape_cast %get3A_5 : vector<128xf32> to vector<1x128xf32>
    %sub3A = vector.broadcast %broadcast_in_dim3A : vector<1x128xf32> to vector<4096x128xf32>
    %sub3A_6 = arith.subf %get3A_1, %sub3A : vector<4096x128xf32>
    %get3A_7 = arith.constant 0 : index
    %get3A_8 = arith.constant 0 : index
    %get3A_9 = vector.load %arg2[%get3A_7, %get3A_8] : memref<1x128xf32, #tpu.memory_space<vmem>>, vector<1x128xf32>
    %get3A_10 = vector.shape_cast %get3A_9 : vector<1x128xf32> to vector<128xf32>
    %add3A = arith.constant 9.99999974E-6 : f32
    %add3A_11 = vector.broadcast %add3A : f32 to vector<128xf32>
    %add3A_12 = arith.addf %get3A_10, %add3A_11 : vector<128xf32>
    %sqrt3A = math.sqrt %add3A_12 : vector<128xf32>
    %broadcast_in_dim3A_13 = vector.shape_cast %sqrt3A : vector<128xf32> to vector<1x128xf32>
    %div3A = vector.broadcast %broadcast_in_dim3A_13 : vector<1x128xf32> to vector<4096x128xf32>
    %div3A_14 = arith.divf %sub3A_6, %div3A : vector<4096x128xf32>
    %get3A_15 = arith.constant 0 : index
    %get3A_16 = arith.constant 0 : index
    %get3A_17 = vector.load %arg3[%get3A_15, %get3A_16] : memref<1x128xf32, #tpu.memory_space<vmem>>, vector<1x128xf32>
    %get3A_18 = vector.shape_cast %get3A_17 : vector<1x128xf32> to vector<128xf32>
    %broadcast_in_dim3A_19 = vector.shape_cast %get3A_18 : vector<128xf32> to vector<1x128xf32>
    %mul3A = vector.broadcast %broadcast_in_dim3A_19 : vector<1x128xf32> to vector<4096x128xf32>
    %mul3A_20 = arith.mulf %div3A_14, %mul3A : vector<4096x128xf32>
    %get3A_21 = arith.constant 0 : index
    %get3A_22 = arith.constant 0 : index
    %get3A_23 = vector.load %arg4[%get3A_21, %get3A_22] : memref<1x128xf32, #tpu.memory_space<vmem>>, vector<1x128xf32>
    %get3A_24 = vector.shape_cast %get3A_23 : vector<1x128xf32> to vector<128xf32>
    %broadcast_in_dim3A_25 = vector.shape_cast %get3A_24 : vector<128xf32> to vector<1x128xf32>
    %add3A_26 = vector.broadcast %broadcast_in_dim3A_25 : vector<1x128xf32> to vector<4096x128xf32>
    %add3A_27 = arith.addf %mul3A_20, %add3A_26 : vector<4096x128xf32>
    %max3A = arith.constant 0.000000e+00 : f32
    %max3A_28 = vector.broadcast %max3A : f32 to vector<4096x128xf32>
    %max3A_29 = arith.maximumf %add3A_27, %max3A_28 : vector<4096x128xf32>
    %swap3A = arith.constant 0 : index
    %swap3A_30 = arith.constant 0 : index
    %swap3A_31 = vector.load %arg5[%swap3A, %swap3A_30] : memref<4096x128xf32, #tpu.memory_space<vmem>>, vector<4096x128xf32>
    tpu.vector_store %arg5[%swap3A, %swap3A_30], %max3A_29 {strides = array<i32>} : memref<4096x128xf32, #tpu.memory_space<vmem>>, vector<4096x128xf32>,
    return
  }
}

module attributes {stable_mosaic.version = 14 : i64} {
  func.func @_edge_d_body(%arg0: i32, %arg1: memref<1280x128xf32, #tpu.memory_space<vmem>>, %arg2: memref<64x128xf32, #tpu.memory_space<vmem>>, %arg3: memref<256x256xf32, #tpu.memory_space<vmem>>, %arg4: memref<1x256x64x20xf32, #tpu.memory_space<vmem>>, %arg5: memref<64x256xf32, #tpu.memory_space<vmem>>) attributes {dimension_semantics = [#tpu.dimension_semantics<arbitrary>], iteration_bounds = array<i64: 64>, scalar_prefetch = 0 : i64, scratch_operands = 0 : i64, tpu.core_type = #tpu.core_type<tc>, window_params = [{transform_indices = @transform_0, window_bounds = array<i64: 1280, 128>}, {transform_indices = @transform_1, window_bounds = array<i64: 64, 128>}, {pipeline_mode = #tpu.pipeline_mode<synchronous>, transform_indices = @transform_2, window_bounds = array<i64: 256, 256>}, {transform_indices = @transform_3, window_bounds = array<i64: 1, 256, 64, 20>}, {transform_indices = @transform_4, window_bounds = array<i64: 64, 256>}]} {
    %get3A = arith.constant 0 : index
    %get3A_0 = arith.constant 0 : index
    %get3A_1 = vector.load %arg1[%get3A, %get3A_0] : memref<1280x128xf32, #tpu.memory_space<vmem>>, vector<1280x128xf32>
    %get3A_2 = arith.constant 0 : index
    %get3A_3 = arith.constant 0 : index
    %get3A_4 = vector.load %arg2[%get3A_2, %get3A_3] : memref<64x128xf32, #tpu.memory_space<vmem>>, vector<64x128xf32>
    %broadcast_in_dim3A = vector.shape_cast %get3A_4 : vector<64x128xf32> to vector<64x1x128xf32>
    %broadcast_in_dim3A_5 = vector.shape_cast %broadcast_in_dim3A : vector<64x1x128xf32> to vector<64x1x128xf32>
    %broadcast_in_dim3A_6 = vector.broadcast %broadcast_in_dim3A_5 : vector<64x1x128xf32> to vector<64x20x128xf32>
    %reshape3A = vector.shape_cast %broadcast_in_dim3A_6 : vector<64x20x128xf32> to vector<1280x128xf32>
    %sub3A = arith.subf %get3A_1, %reshape3A : vector<1280x128xf32>
    %concatenate3A = tpu.concatenate %sub3A, %reshape3A in 1 : vector<1280x128xf32>, vector<1280x128xf32> -> vector<1280x256xf32>
    %get3A_7 = arith.constant 0 : index
    %get3A_8 = arith.constant 0 : index
    %get3A_9 = vector.load %arg3[%get3A_7, %get3A_8] : memref<256x256xf32, #tpu.memory_space<vmem>>, vector<256x256xf32>
    %dot_general3A = arith.constant dense<0.000000e+00> : vector<1280x256xf32>
    %dot_general3A_10 = tpu.matmul %concatenate3A, %get3A_9, %dot_general3A {dimension_numbers = #tpu.dot_dimension_numbers<[1], [0], [0], [1], [0, 0, 1, 1], [], []>, transpose_lhs_hint = false} : vector<1280x256xf32>, vector<256x256xf32>, vector<1280x256xf32> -> vector<1280x256xf32>
    %reshape3A_11 = vector.shape_cast %dot_general3A_10 : vector<1280x256xf32> to vector<64x20x256xf32>
    %reduce_max3A = arith.constant dense<0xFF800000> : vector<64x256xf32>
    %reduce_max3A_12 = vector.multi_reduction <maximumf>, %reshape3A_11, %reduce_max3A [1] : vector<64x20x256xf32> to vector<64x256xf32>
    %swap3A = arith.constant 0 : index
    %swap3A_13 = arith.constant 0 : index
    %swap3A_14 = vector.load %arg5[%swap3A, %swap3A_13] : memref<64x256xf32, #tpu.memory_space<vmem>>, vector<64x256xf32>
    tpu.vector_store %arg5[%swap3A, %swap3A_13], %reduce_max3A_12 {strides = array<i32>} : memref<64x256xf32, #tpu.memory_space<vmem>>, vector<64x256xf32>,
    %transpose3A = tpu.transpose %dot_general3A_10, [1, 0] : vector<1280x256xf32> -> vector<256x1280xf32>
    %reshape3A_15 = vector.shape_cast %transpose3A : vector<256x1280xf32> to vector<256x64x20xf32>
    %swap3A_16 = arith.constant 0 : index
    %swap3A_17 = arith.constant 0 : index
    %swap3A_18 = arith.constant 0 : index
    %swap3A_19 = arith.constant 0 : index
    %swap3A_20 = vector.load %arg4[%swap3A_16, %swap3A_17, %swap3A_18, %swap3A_19] : memref<1x256x64x20xf32, #tpu.memory_space<vmem>>, vector<1x256x64x20xf32>
    %swap3A_21 = vector.shape_cast %swap3A_20 : vector<1x256x64x20xf32> to vector<256x64x20xf32>
    %swap3A_22 = vector.shape_cast %reshape3A_15 : vector<256x64x20xf32> to vector<1x256x64x20xf32>
    tpu.vector_store %arg4[%swap3A_16, %swap3A_17, %swap3A_18, %swap3A_19], %swap3A_22 {strides = array<i32>} : memref<1x256x64x20xf32, #tpu.memory_space<vmem>>, vector<1x256x64x20xf32>,
    return
  }
  func.func @transform_0(%arg0: i32) -> (i32, i32) {
    %c0_i32 = arith.constant 0 : i32
    %c0_i32_0 = arith.constant 0 : i32
    return %arg0, %c0_i32 : i32, i32
  }
  func.func @transform_1(%arg0: i32) -> (i32, i32) {
    %c0_i32 = arith.constant 0 : i32
    %c0_i32_0 = arith.constant 0 : i32
    return %arg0, %c0_i32 : i32, i32
  }
  func.func @transform_2(%arg0: i32) -> (i32, i32) {
    %c0_i32 = arith.constant 0 : i32
    %c0_i32_0 = arith.constant 0 : i32
    %c0_i32_1 = arith.constant 0 : i32
    return %c0_i32, %c0_i32_0 : i32, i32
  }
  func.func @transform_3(%arg0: i32) -> (i32, i32, i32, i32) {
    %jit3A = arith.constant 16 : i32
    %div3A = arith.divsi %arg0, %jit3A : i32
    %sign3A = arith.constant 0 : i32
    %sign3A_0 = arith.cmpi sgt, %arg0, %sign3A : i32
    %sign3A_1 = arith.extui %sign3A_0 : i1 to i32
    %sign3A_2 = arith.constant 0 : i32
    %sign3A_3 = arith.cmpi slt, %arg0, %sign3A_2 : i32
    %sign3A_4 = arith.extui %sign3A_3 : i1 to i32
    %sign3A_5 = arith.subi %sign3A_1, %sign3A_4 : i32
    %sign3A_6 = arith.constant 0 : i32
    %sign3A_7 = arith.cmpi sgt, %jit3A, %sign3A_6 : i32
    %sign3A_8 = arith.extui %sign3A_7 : i1 to i32
    %sign3A_9 = arith.constant 0 : i32
    %sign3A_10 = arith.cmpi slt, %jit3A, %sign3A_9 : i32
    %sign3A_11 = arith.extui %sign3A_10 : i1 to i32
    %sign3A_12 = arith.subi %sign3A_8, %sign3A_11 : i32
    %ne3A = arith.cmpi ne, %sign3A_5, %sign3A_12 : i32
    %rem3A = arith.remsi %arg0, %jit3A : i32
    %ne3A_13 = arith.constant 0 : i32
    %ne3A_14 = arith.cmpi ne, %rem3A, %ne3A_13 : i32
    %and3A = arith.andi %ne3A, %ne3A_14 : i1
    %sub3A = arith.constant 1 : i32
    %sub3A_15 = arith.subi %div3A, %sub3A : i32
    %select_n3A = arith.select %and3A, %sub3A_15, %div3A : i32
    %jit3A_16 = arith.constant 16 : i32
    %eq3A = arith.constant 0 : i32
    %eq3A_17 = arith.cmpi eq, %jit3A_16, %eq3A : i32
    %jit3A_18 = arith.constant 1 : i32
    %select_n3A_19 = arith.select %eq3A_17, %jit3A_18, %jit3A_16 : i32
    %rem3A_20 = arith.remsi %arg0, %select_n3A_19 : i32
    %ne3A_21 = arith.constant 0 : i32
    %ne3A_22 = arith.cmpi ne, %rem3A_20, %ne3A_21 : i32
    %lt3A = arith.constant 0 : i32
    %lt3A_23 = arith.cmpi slt, %rem3A_20, %lt3A : i32
    %lt3A_24 = arith.constant 0 : i32
    %lt3A_25 = arith.cmpi slt, %select_n3A_19, %lt3A_24 : i32
    %ne3A_26 = arith.xori %lt3A_23, %lt3A_25 : i1
    %and3A_27 = arith.andi %ne3A_26, %ne3A_22 : i1
    %add3A = arith.addi %rem3A_20, %select_n3A_19 : i32
    %select_n3A_28 = arith.select %and3A_27, %add3A, %rem3A_20 : i32
    %c0_i32 = arith.constant 0 : i32
    %c0_i32_29 = arith.constant 0 : i32
    %c0_i32_30 = arith.constant 0 : i32
    return %select_n3A, %c0_i32, %select_n3A_28, %c0_i32_29 : i32, i32, i32, i32
  }
  func.func @transform_4(%arg0: i32) -> (i32, i32) {
    %c0_i32 = arith.constant 0 : i32
    %c0_i32_0 = arith.constant 0 : i32
    return %arg0, %c0_i32 : i32, i32
  }
}

module attributes {stable_mosaic.version = 14 : i64} {
  func.func @_edge_e_body(%arg0: memref<4096x256xf32, #tpu.memory_space<vmem>>, %arg1: memref<1x256xf32, #tpu.memory_space<vmem>>, %arg2: memref<1x256xf32, #tpu.memory_space<vmem>>, %arg3: memref<1x256xf32, #tpu.memory_space<vmem>>, %arg4: memref<1x256xf32, #tpu.memory_space<vmem>>, %arg5: memref<4096x256xf32, #tpu.memory_space<vmem>>) attributes {dimension_semantics = [], scalar_prefetch = 0 : i64, scratch_operands = 0 : i64, tpu.core_type = #tpu.core_type<tc>} {
    %get3A = arith.constant 0 : index
    %get3A_0 = arith.constant 0 : index
    %get3A_1 = vector.load %arg0[%get3A, %get3A_0] : memref<4096x256xf32, #tpu.memory_space<vmem>>, vector<4096x256xf32>
    %get3A_2 = arith.constant 0 : index
    %get3A_3 = arith.constant 0 : index
    %get3A_4 = vector.load %arg1[%get3A_2, %get3A_3] : memref<1x256xf32, #tpu.memory_space<vmem>>, vector<1x256xf32>
    %get3A_5 = vector.shape_cast %get3A_4 : vector<1x256xf32> to vector<256xf32>
    %broadcast_in_dim3A = vector.shape_cast %get3A_5 : vector<256xf32> to vector<1x256xf32>
    %sub3A = vector.broadcast %broadcast_in_dim3A : vector<1x256xf32> to vector<4096x256xf32>
    %sub3A_6 = arith.subf %get3A_1, %sub3A : vector<4096x256xf32>
    %get3A_7 = arith.constant 0 : index
    %get3A_8 = arith.constant 0 : index
    %get3A_9 = vector.load %arg2[%get3A_7, %get3A_8] : memref<1x256xf32, #tpu.memory_space<vmem>>, vector<1x256xf32>
    %get3A_10 = vector.shape_cast %get3A_9 : vector<1x256xf32> to vector<256xf32>
    %add3A = arith.constant 9.99999974E-6 : f32
    %add3A_11 = vector.broadcast %add3A : f32 to vector<256xf32>
    %add3A_12 = arith.addf %get3A_10, %add3A_11 : vector<256xf32>
    %sqrt3A = math.sqrt %add3A_12 : vector<256xf32>
    %broadcast_in_dim3A_13 = vector.shape_cast %sqrt3A : vector<256xf32> to vector<1x256xf32>
    %div3A = vector.broadcast %broadcast_in_dim3A_13 : vector<1x256xf32> to vector<4096x256xf32>
    %div3A_14 = arith.divf %sub3A_6, %div3A : vector<4096x256xf32>
    %get3A_15 = arith.constant 0 : index
    %get3A_16 = arith.constant 0 : index
    %get3A_17 = vector.load %arg3[%get3A_15, %get3A_16] : memref<1x256xf32, #tpu.memory_space<vmem>>, vector<1x256xf32>
    %get3A_18 = vector.shape_cast %get3A_17 : vector<1x256xf32> to vector<256xf32>
    %broadcast_in_dim3A_19 = vector.shape_cast %get3A_18 : vector<256xf32> to vector<1x256xf32>
    %mul3A = vector.broadcast %broadcast_in_dim3A_19 : vector<1x256xf32> to vector<4096x256xf32>
    %mul3A_20 = arith.mulf %div3A_14, %mul3A : vector<4096x256xf32>
    %get3A_21 = arith.constant 0 : index
    %get3A_22 = arith.constant 0 : index
    %get3A_23 = vector.load %arg4[%get3A_21, %get3A_22] : memref<1x256xf32, #tpu.memory_space<vmem>>, vector<1x256xf32>
    %get3A_24 = vector.shape_cast %get3A_23 : vector<1x256xf32> to vector<256xf32>
    %broadcast_in_dim3A_25 = vector.shape_cast %get3A_24 : vector<256xf32> to vector<1x256xf32>
    %add3A_26 = vector.broadcast %broadcast_in_dim3A_25 : vector<1x256xf32> to vector<4096x256xf32>
    %add3A_27 = arith.addf %mul3A_20, %add3A_26 : vector<4096x256xf32>
    %max3A = arith.constant 0.000000e+00 : f32
    %max3A_28 = vector.broadcast %max3A : f32 to vector<4096x256xf32>
    %max3A_29 = arith.maximumf %add3A_27, %max3A_28 : vector<4096x256xf32>
    %swap3A = arith.constant 0 : index
    %swap3A_30 = arith.constant 0 : index
    %swap3A_31 = vector.load %arg5[%swap3A, %swap3A_30] : memref<4096x256xf32, #tpu.memory_space<vmem>>, vector<4096x256xf32>
    tpu.vector_store %arg5[%swap3A, %swap3A_30], %max3A_29 {strides = array<i32>} : memref<4096x256xf32, #tpu.memory_space<vmem>>, vector<4096x256xf32>,
    return
  }
}

module attributes {stable_mosaic.version = 14 : i64} {
  func.func @_head_body(%arg0: memref<4096x64xf32, #tpu.memory_space<vmem>>, %arg1: memref<4096x64xf32, #tpu.memory_space<vmem>>, %arg2: memref<4096x128xf32, #tpu.memory_space<vmem>>, %arg3: memref<4096x256xf32, #tpu.memory_space<vmem>>, %arg4: memref<512x1024xf32, #tpu.memory_space<vmem>>, %arg5: memref<1x1024xf32, #tpu.memory_space<vmem>>, %arg6: memref<1x1024xf32, #tpu.memory_space<vmem>>, %arg7: memref<512x512xf32, #tpu.memory_space<vmem>>, %arg8: memref<1024x512xf32, #tpu.memory_space<vmem>>, %arg9: memref<1x512xf32, #tpu.memory_space<vmem>>, %arg10: memref<1x512xf32, #tpu.memory_space<vmem>>, %arg11: memref<512x256xf32, #tpu.memory_space<vmem>>, %arg12: memref<1x256xf32, #tpu.memory_space<vmem>>, %arg13: memref<1x256xf32, #tpu.memory_space<vmem>>, %arg14: memref<256x128xf32, #tpu.memory_space<vmem>>, %arg15: memref<1x128xf32, #tpu.memory_space<vmem>>, %arg16: memref<4096x128xf32, #tpu.memory_space<vmem>>) attributes {dimension_semantics = [], scalar_prefetch = 0 : i64, scratch_operands = 0 : i64, tpu.core_type = #tpu.core_type<tc>} {
    %get3A = arith.constant 0 : index
    %get3A_0 = arith.constant 0 : index
    %get3A_1 = vector.load %arg0[%get3A, %get3A_0] : memref<4096x64xf32, #tpu.memory_space<vmem>>, vector<4096x64xf32>
    %get3A_2 = arith.constant 0 : index
    %get3A_3 = arith.constant 0 : index
    %get3A_4 = vector.load %arg1[%get3A_2, %get3A_3] : memref<4096x64xf32, #tpu.memory_space<vmem>>, vector<4096x64xf32>
    %get3A_5 = arith.constant 0 : index
    %get3A_6 = arith.constant 0 : index
    %get3A_7 = vector.load %arg2[%get3A_5, %get3A_6] : memref<4096x128xf32, #tpu.memory_space<vmem>>, vector<4096x128xf32>
    %get3A_8 = arith.constant 0 : index
    %get3A_9 = arith.constant 0 : index
    %get3A_10 = vector.load %arg3[%get3A_8, %get3A_9] : memref<4096x256xf32, #tpu.memory_space<vmem>>, vector<4096x256xf32>
    %concatenate3A = tpu.concatenate %get3A_1, %get3A_4, %get3A_7, %get3A_10 in 1 : vector<4096x64xf32>, vector<4096x64xf32>, vector<4096x128xf32>, vector<4096x256xf32> -> vector<4096x512xf32>
    %broadcast_in_dim3A = arith.constant 0.000000e+00 : f32
    %broadcast_in_dim3A_11 = vector.broadcast %broadcast_in_dim3A : f32 to vector<1024xf32>
    %broadcast_in_dim3A_12 = arith.constant 0.000000e+00 : f32
    %broadcast_in_dim3A_13 = vector.broadcast %broadcast_in_dim3A_12 : f32 to vector<1024xf32>
    %slice3A = vector.extract_strided_slice %concatenate3A {offsets = [0, 0], sizes = [1024, 512], strides = [1, 1]} : vector<4096x512xf32> to vector<1024x512xf32>
    %get3A_14 = arith.constant 0 : index
    %get3A_15 = arith.constant 0 : index
    %get3A_16 = vector.load %arg4[%get3A_14, %get3A_15] : memref<512x1024xf32, #tpu.memory_space<vmem>>, vector<512x1024xf32>
    %dot_general3A = arith.constant dense<0.000000e+00> : vector<1024x1024xf32>
    %dot_general3A_17 = tpu.matmul %slice3A, %get3A_16, %dot_general3A {dimension_numbers = #tpu.dot_dimension_numbers<[1], [0], [0], [1], [0, 0, 1, 1], [], []>, transpose_lhs_hint = false} : vector<1024x512xf32>, vector<512x1024xf32>, vector<1024x1024xf32> -> vector<1024x1024xf32>
    %reduce_sum3A = arith.constant dense<0.000000e+00> : vector<1024xf32>
    %reduce_sum3A_18 = vector.multi_reduction <add>, %dot_general3A_17, %reduce_sum3A [0] : vector<1024x1024xf32> to vector<1024xf32>
    %add3A = arith.addf %broadcast_in_dim3A_11, %reduce_sum3A_18 : vector<1024xf32>
    %mul3A = arith.mulf %dot_general3A_17, %dot_general3A_17 : vector<1024x1024xf32>
    %reduce_sum3A_19 = arith.constant dense<0.000000e+00> : vector<1024xf32>
    %reduce_sum3A_20 = vector.multi_reduction <add>, %mul3A, %reduce_sum3A_19 [0] : vector<1024x1024xf32> to vector<1024xf32>
    %add3A_21 = arith.addf %broadcast_in_dim3A_13, %reduce_sum3A_20 : vector<1024xf32>
    %reduce_max3A = arith.constant dense<0xFF800000> : vector<1024xf32>
    %reduce_max3A_22 = vector.multi_reduction <maximumf>, %dot_general3A_17, %reduce_max3A [0] : vector<1024x1024xf32> to vector<1024xf32>
    %broadcast_in_dim3A_23 = vector.shape_cast %reduce_max3A_22 : vector<1024xf32> to vector<1x1024xf32>
    %slice3A_24 = vector.extract_strided_slice %concatenate3A {offsets = [1024, 0], sizes = [1024, 512], strides = [1, 1]} : vector<4096x512xf32> to vector<1024x512xf32>
    %get3A_25 = arith.constant 0 : index
    %get3A_26 = arith.constant 0 : index
    %get3A_27 = vector.load %arg4[%get3A_25, %get3A_26] : memref<512x1024xf32, #tpu.memory_space<vmem>>, vector<512x1024xf32>
    %dot_general3A_28 = arith.constant dense<0.000000e+00> : vector<1024x1024xf32>
    %dot_general3A_29 = tpu.matmul %slice3A_24, %get3A_27, %dot_general3A_28 {dimension_numbers = #tpu.dot_dimension_numbers<[1], [0], [0], [1], [0, 0, 1, 1], [], []>, transpose_lhs_hint = false} : vector<1024x512xf32>, vector<512x1024xf32>, vector<1024x1024xf32> -> vector<1024x1024xf32>
    %reduce_sum3A_30 = arith.constant dense<0.000000e+00> : vector<1024xf32>
    %reduce_sum3A_31 = vector.multi_reduction <add>, %dot_general3A_29, %reduce_sum3A_30 [0] : vector<1024x1024xf32> to vector<1024xf32>
    %add3A_32 = arith.addf %add3A, %reduce_sum3A_31 : vector<1024xf32>
    %mul3A_33 = arith.mulf %dot_general3A_29, %dot_general3A_29 : vector<1024x1024xf32>
    %reduce_sum3A_34 = arith.constant dense<0.000000e+00> : vector<1024xf32>
    %reduce_sum3A_35 = vector.multi_reduction <add>, %mul3A_33, %reduce_sum3A_34 [0] : vector<1024x1024xf32> to vector<1024xf32>
    %add3A_36 = arith.addf %add3A_21, %reduce_sum3A_35 : vector<1024xf32>
    %reduce_max3A_37 = arith.constant dense<0xFF800000> : vector<1024xf32>
    %reduce_max3A_38 = vector.multi_reduction <maximumf>, %dot_general3A_29, %reduce_max3A_37 [0] : vector<1024x1024xf32> to vector<1024xf32>
    %broadcast_in_dim3A_39 = vector.shape_cast %reduce_max3A_38 : vector<1024xf32> to vector<1x1024xf32>
    %slice3A_40 = vector.extract_strided_slice %concatenate3A {offsets = [2048, 0], sizes = [1024, 512], strides = [1, 1]} : vector<4096x512xf32> to vector<1024x512xf32>
    %get3A_41 = arith.constant 0 : index
    %get3A_42 = arith.constant 0 : index
    %get3A_43 = vector.load %arg4[%get3A_41, %get3A_42] : memref<512x1024xf32, #tpu.memory_space<vmem>>, vector<512x1024xf32>
    %dot_general3A_44 = arith.constant dense<0.000000e+00> : vector<1024x1024xf32>
    %dot_general3A_45 = tpu.matmul %slice3A_40, %get3A_43, %dot_general3A_44 {dimension_numbers = #tpu.dot_dimension_numbers<[1], [0], [0], [1], [0, 0, 1, 1], [], []>, transpose_lhs_hint = false} : vector<1024x512xf32>, vector<512x1024xf32>, vector<1024x1024xf32> -> vector<1024x1024xf32>
    %reduce_sum3A_46 = arith.constant dense<0.000000e+00> : vector<1024xf32>
    %reduce_sum3A_47 = vector.multi_reduction <add>, %dot_general3A_45, %reduce_sum3A_46 [0] : vector<1024x1024xf32> to vector<1024xf32>
    %add3A_48 = arith.addf %add3A_32, %reduce_sum3A_47 : vector<1024xf32>
    %mul3A_49 = arith.mulf %dot_general3A_45, %dot_general3A_45 : vector<1024x1024xf32>
    %reduce_sum3A_50 = arith.constant dense<0.000000e+00> : vector<1024xf32>
    %reduce_sum3A_51 = vector.multi_reduction <add>, %mul3A_49, %reduce_sum3A_50 [0] : vector<1024x1024xf32> to vector<1024xf32>
    %add3A_52 = arith.addf %add3A_36, %reduce_sum3A_51 : vector<1024xf32>
    %reduce_max3A_53 = arith.constant dense<0xFF800000> : vector<1024xf32>
    %reduce_max3A_54 = vector.multi_reduction <maximumf>, %dot_general3A_45, %reduce_max3A_53 [0] : vector<1024x1024xf32> to vector<1024xf32>
    %broadcast_in_dim3A_55 = vector.shape_cast %reduce_max3A_54 : vector<1024xf32> to vector<1x1024xf32>
    %slice3A_56 = vector.extract_strided_slice %concatenate3A {offsets = [3072, 0], sizes = [1024, 512], strides = [1, 1]} : vector<4096x512xf32> to vector<1024x512xf32>
    %get3A_57 = arith.constant 0 : index
    %get3A_58 = arith.constant 0 : index
    %get3A_59 = vector.load %arg4[%get3A_57, %get3A_58] : memref<512x1024xf32, #tpu.memory_space<vmem>>, vector<512x1024xf32>
    %dot_general3A_60 = arith.constant dense<0.000000e+00> : vector<1024x1024xf32>
    %dot_general3A_61 = tpu.matmul %slice3A_56, %get3A_59, %dot_general3A_60 {dimension_numbers = #tpu.dot_dimension_numbers<[1], [0], [0], [1], [0, 0, 1, 1], [], []>, transpose_lhs_hint = false} : vector<1024x512xf32>, vector<512x1024xf32>, vector<1024x1024xf32> -> vector<1024x1024xf32>
    %reduce_sum3A_62 = arith.constant dense<0.000000e+00> : vector<1024xf32>
    %reduce_sum3A_63 = vector.multi_reduction <add>, %dot_general3A_61, %reduce_sum3A_62 [0] : vector<1024x1024xf32> to vector<1024xf32>
    %add3A_64 = arith.addf %add3A_48, %reduce_sum3A_63 : vector<1024xf32>
    %mul3A_65 = arith.mulf %dot_general3A_61, %dot_general3A_61 : vector<1024x1024xf32>
    %reduce_sum3A_66 = arith.constant dense<0.000000e+00> : vector<1024xf32>
    %reduce_sum3A_67 = vector.multi_reduction <add>, %mul3A_65, %reduce_sum3A_66 [0] : vector<1024x1024xf32> to vector<1024xf32>
    %add3A_68 = arith.addf %add3A_52, %reduce_sum3A_67 : vector<1024xf32>
    %reduce_max3A_69 = arith.constant dense<0xFF800000> : vector<1024xf32>
    %reduce_max3A_70 = vector.multi_reduction <maximumf>, %dot_general3A_61, %reduce_max3A_69 [0] : vector<1024x1024xf32> to vector<1024xf32>
    %broadcast_in_dim3A_71 = vector.shape_cast %reduce_max3A_70 : vector<1024xf32> to vector<1x1024xf32>
    %div3A = arith.constant 4.096000e+03 : f32
    %div3A_72 = vector.broadcast %div3A : f32 to vector<1024xf32>
    %div3A_73 = arith.divf %add3A_64, %div3A_72 : vector<1024xf32>
    %div3A_74 = arith.constant 4.096000e+03 : f32
    %div3A_75 = vector.broadcast %div3A_74 : f32 to vector<1024xf32>
    %div3A_76 = arith.divf %add3A_68, %div3A_75 : vector<1024xf32>
    %mul3A_77 = arith.mulf %div3A_73, %div3A_73 : vector<1024xf32>
    %sub3A = arith.subf %div3A_76, %mul3A_77 : vector<1024xf32>
    %concatenate3A_78 = tpu.concatenate %broadcast_in_dim3A_23, %broadcast_in_dim3A_39, %broadcast_in_dim3A_55, %broadcast_in_dim3A_71 in 0 : vector<1x1024xf32>, vector<1x1024xf32>, vector<1x1024xf32>, vector<1x1024xf32> -> vector<4x1024xf32>
    %broadcast_in_dim3A_79 = vector.shape_cast %div3A_73 : vector<1024xf32> to vector<1x1024xf32>
    %sub3A_80 = vector.broadcast %broadcast_in_dim3A_79 : vector<1x1024xf32> to vector<4x1024xf32>
    %sub3A_81 = arith.subf %concatenate3A_78, %sub3A_80 : vector<4x1024xf32>
    %add3A_82 = arith.constant 9.99999974E-6 : f32
    %add3A_83 = vector.broadcast %add3A_82 : f32 to vector<1024xf32>
    %add3A_84 = arith.addf %sub3A, %add3A_83 : vector<1024xf32>
    %sqrt3A = math.sqrt %add3A_84 : vector<1024xf32>
    %broadcast_in_dim3A_85 = vector.shape_cast %sqrt3A : vector<1024xf32> to vector<1x1024xf32>
    %div3A_86 = vector.broadcast %broadcast_in_dim3A_85 : vector<1x1024xf32> to vector<4x1024xf32>
    %div3A_87 = arith.divf %sub3A_81, %div3A_86 : vector<4x1024xf32>
    %get3A_88 = arith.constant 0 : index
    %get3A_89 = arith.constant 0 : index
    %get3A_90 = vector.load %arg5[%get3A_88, %get3A_89] : memref<1x1024xf32, #tpu.memory_space<vmem>>, vector<1x1024xf32>
    %get3A_91 = vector.shape_cast %get3A_90 : vector<1x1024xf32> to vector<1024xf32>
    %broadcast_in_dim3A_92 = vector.shape_cast %get3A_91 : vector<1024xf32> to vector<1x1024xf32>
    %mul3A_93 = vector.broadcast %broadcast_in_dim3A_92 : vector<1x1024xf32> to vector<4x1024xf32>
    %mul3A_94 = arith.mulf %div3A_87, %mul3A_93 : vector<4x1024xf32>
    %get3A_95 = arith.constant 0 : index
    %get3A_96 = arith.constant 0 : index
    %get3A_97 = vector.load %arg6[%get3A_95, %get3A_96] : memref<1x1024xf32, #tpu.memory_space<vmem>>, vector<1x1024xf32>
    %get3A_98 = vector.shape_cast %get3A_97 : vector<1x1024xf32> to vector<1024xf32>
    %broadcast_in_dim3A_99 = vector.shape_cast %get3A_98 : vector<1024xf32> to vector<1x1024xf32>
    %add3A_100 = vector.broadcast %broadcast_in_dim3A_99 : vector<1x1024xf32> to vector<4x1024xf32>
    %add3A_101 = arith.addf %mul3A_94, %add3A_100 : vector<4x1024xf32>
    %max3A = arith.constant 0.000000e+00 : f32
    %max3A_102 = vector.broadcast %max3A : f32 to vector<4x1024xf32>
    %max3A_103 = arith.maximumf %add3A_101, %max3A_102 : vector<4x1024xf32>
    %get3A_104 = arith.constant 0 : index
    %get3A_105 = arith.constant 0 : index
    %get3A_106 = vector.load %arg8[%get3A_104, %get3A_105] : memref<1024x512xf32, #tpu.memory_space<vmem>>, vector<1024x512xf32>
    %dot_general3A_107 = arith.constant dense<0.000000e+00> : vector<4x512xf32>
    %dot_general3A_108 = tpu.matmul %max3A_103, %get3A_106, %dot_general3A_107 {dimension_numbers = #tpu.dot_dimension_numbers<[1], [0], [0], [1], [0, 0, 1, 1], [], []>, transpose_lhs_hint = false} : vector<4x1024xf32>, vector<1024x512xf32>, vector<4x512xf32> -> vector<4x512xf32>
    %slice3A_109 = vector.extract_strided_slice %concatenate3A {offsets = [0, 0], sizes = [1024, 512], strides = [1, 1]} : vector<4096x512xf32> to vector<1024x512xf32>
    %get3A_110 = arith.constant 0 : index
    %get3A_111 = arith.constant 0 : index
    %get3A_112 = vector.load %arg7[%get3A_110, %get3A_111] : memref<512x512xf32, #tpu.memory_space<vmem>>, vector<512x512xf32>
    %dot_general3A_113 = arith.constant dense<0.000000e+00> : vector<1024x512xf32>
    %dot_general3A_114 = tpu.matmul %slice3A_109, %get3A_112, %dot_general3A_113 {dimension_numbers = #tpu.dot_dimension_numbers<[1], [0], [0], [1], [0, 0, 1, 1], [], []>, transpose_lhs_hint = false} : vector<1024x512xf32>, vector<512x512xf32>, vector<1024x512xf32> -> vector<1024x512xf32>
    %slice3A_115 = vector.extract_strided_slice %dot_general3A_108 {offsets = [0, 0], sizes = [1, 512], strides = [1, 1]} : vector<4x512xf32> to vector<1x512xf32>
    %squeeze3A = vector.shape_cast %slice3A_115 : vector<1x512xf32> to vector<512xf32>
    %broadcast_in_dim3A_116 = vector.shape_cast %squeeze3A : vector<512xf32> to vector<1x512xf32>
    %add3A_117 = vector.broadcast %broadcast_in_dim3A_116 : vector<1x512xf32> to vector<1024x512xf32>
    %add3A_118 = arith.addf %dot_general3A_114, %add3A_117 : vector<1024x512xf32>
    %slice3A_119 = vector.extract_strided_slice %concatenate3A {offsets = [1024, 0], sizes = [1024, 512], strides = [1, 1]} : vector<4096x512xf32> to vector<1024x512xf32>
    %get3A_120 = arith.constant 0 : index
    %get3A_121 = arith.constant 0 : index
    %get3A_122 = vector.load %arg7[%get3A_120, %get3A_121] : memref<512x512xf32, #tpu.memory_space<vmem>>, vector<512x512xf32>
    %dot_general3A_123 = arith.constant dense<0.000000e+00> : vector<1024x512xf32>
    %dot_general3A_124 = tpu.matmul %slice3A_119, %get3A_122, %dot_general3A_123 {dimension_numbers = #tpu.dot_dimension_numbers<[1], [0], [0], [1], [0, 0, 1, 1], [], []>, transpose_lhs_hint = false} : vector<1024x512xf32>, vector<512x512xf32>, vector<1024x512xf32> -> vector<1024x512xf32>
    %slice3A_125 = vector.extract_strided_slice %dot_general3A_108 {offsets = [1, 0], sizes = [1, 512], strides = [1, 1]} : vector<4x512xf32> to vector<1x512xf32>
    %squeeze3A_126 = vector.shape_cast %slice3A_125 : vector<1x512xf32> to vector<512xf32>
    %broadcast_in_dim3A_127 = vector.shape_cast %squeeze3A_126 : vector<512xf32> to vector<1x512xf32>
    %add3A_128 = vector.broadcast %broadcast_in_dim3A_127 : vector<1x512xf32> to vector<1024x512xf32>
    %add3A_129 = arith.addf %dot_general3A_124, %add3A_128 : vector<1024x512xf32>
    %slice3A_130 = vector.extract_strided_slice %concatenate3A {offsets = [2048, 0], sizes = [1024, 512], strides = [1, 1]} : vector<4096x512xf32> to vector<1024x512xf32>
    %get3A_131 = arith.constant 0 : index
    %get3A_132 = arith.constant 0 : index
    %get3A_133 = vector.load %arg7[%get3A_131, %get3A_132] : memref<512x512xf32, #tpu.memory_space<vmem>>, vector<512x512xf32>
    %dot_general3A_134 = arith.constant dense<0.000000e+00> : vector<1024x512xf32>
    %dot_general3A_135 = tpu.matmul %slice3A_130, %get3A_133, %dot_general3A_134 {dimension_numbers = #tpu.dot_dimension_numbers<[1], [0], [0], [1], [0, 0, 1, 1], [], []>, transpose_lhs_hint = false} : vector<1024x512xf32>, vector<512x512xf32>, vector<1024x512xf32> -> vector<1024x512xf32>
    %slice3A_136 = vector.extract_strided_slice %dot_general3A_108 {offsets = [2, 0], sizes = [1, 512], strides = [1, 1]} : vector<4x512xf32> to vector<1x512xf32>
    %squeeze3A_137 = vector.shape_cast %slice3A_136 : vector<1x512xf32> to vector<512xf32>
    %broadcast_in_dim3A_138 = vector.shape_cast %squeeze3A_137 : vector<512xf32> to vector<1x512xf32>
    %add3A_139 = vector.broadcast %broadcast_in_dim3A_138 : vector<1x512xf32> to vector<1024x512xf32>
    %add3A_140 = arith.addf %dot_general3A_135, %add3A_139 : vector<1024x512xf32>
    %slice3A_141 = vector.extract_strided_slice %concatenate3A {offsets = [3072, 0], sizes = [1024, 512], strides = [1, 1]} : vector<4096x512xf32> to vector<1024x512xf32>
    %get3A_142 = arith.constant 0 : index
    %get3A_143 = arith.constant 0 : index
    %get3A_144 = vector.load %arg7[%get3A_142, %get3A_143] : memref<512x512xf32, #tpu.memory_space<vmem>>, vector<512x512xf32>
    %dot_general3A_145 = arith.constant dense<0.000000e+00> : vector<1024x512xf32>
    %dot_general3A_146 = tpu.matmul %slice3A_141, %get3A_144, %dot_general3A_145 {dimension_numbers = #tpu.dot_dimension_numbers<[1], [0], [0], [1], [0, 0, 1, 1], [], []>, transpose_lhs_hint = false} : vector<1024x512xf32>, vector<512x512xf32>, vector<1024x512xf32> -> vector<1024x512xf32>
    %slice3A_147 = vector.extract_strided_slice %dot_general3A_108 {offsets = [3, 0], sizes = [1, 512], strides = [1, 1]} : vector<4x512xf32> to vector<1x512xf32>
    %squeeze3A_148 = vector.shape_cast %slice3A_147 : vector<1x512xf32> to vector<512xf32>
    %broadcast_in_dim3A_149 = vector.shape_cast %squeeze3A_148 : vector<512xf32> to vector<1x512xf32>
    %add3A_150 = vector.broadcast %broadcast_in_dim3A_149 : vector<1x512xf32> to vector<1024x512xf32>
    %add3A_151 = arith.addf %dot_general3A_146, %add3A_150 : vector<1024x512xf32>
    %concatenate3A_152 = tpu.concatenate %add3A_118, %add3A_129, %add3A_140, %add3A_151 in 0 : vector<1024x512xf32>, vector<1024x512xf32>, vector<1024x512xf32>, vector<1024x512xf32> -> vector<4096x512xf32>
    %reduce_sum3A_153 = arith.constant dense<0.000000e+00> : vector<512xf32>
    %reduce_sum3A_154 = vector.multi_reduction <add>, %concatenate3A_152, %reduce_sum3A_153 [0] : vector<4096x512xf32> to vector<512xf32>
    %div3A_155 = arith.constant 4.096000e+03 : f32
    %div3A_156 = vector.broadcast %div3A_155 : f32 to vector<512xf32>
    %div3A_157 = arith.divf %reduce_sum3A_154, %div3A_156 : vector<512xf32>
    %mul3A_158 = arith.mulf %concatenate3A_152, %concatenate3A_152 : vector<4096x512xf32>
    %reduce_sum3A_159 = arith.constant dense<0.000000e+00> : vector<512xf32>
    %reduce_sum3A_160 = vector.multi_reduction <add>, %mul3A_158, %reduce_sum3A_159 [0] : vector<4096x512xf32> to vector<512xf32>
    %div3A_161 = arith.constant 4.096000e+03 : f32
    %div3A_162 = vector.broadcast %div3A_161 : f32 to vector<512xf32>
    %div3A_163 = arith.divf %reduce_sum3A_160, %div3A_162 : vector<512xf32>
    %mul3A_164 = arith.mulf %div3A_157, %div3A_157 : vector<512xf32>
    %sub3A_165 = arith.subf %div3A_163, %mul3A_164 : vector<512xf32>
    %broadcast_in_dim3A_166 = vector.shape_cast %div3A_157 : vector<512xf32> to vector<1x512xf32>
    %sub3A_167 = vector.broadcast %broadcast_in_dim3A_166 : vector<1x512xf32> to vector<4096x512xf32>
    %sub3A_168 = arith.subf %concatenate3A_152, %sub3A_167 : vector<4096x512xf32>
    %add3A_169 = arith.constant 9.99999974E-6 : f32
    %add3A_170 = vector.broadcast %add3A_169 : f32 to vector<512xf32>
    %add3A_171 = arith.addf %sub3A_165, %add3A_170 : vector<512xf32>
    %sqrt3A_172 = math.sqrt %add3A_171 : vector<512xf32>
    %broadcast_in_dim3A_173 = vector.shape_cast %sqrt3A_172 : vector<512xf32> to vector<1x512xf32>
    %div3A_174 = vector.broadcast %broadcast_in_dim3A_173 : vector<1x512xf32> to vector<4096x512xf32>
    %div3A_175 = arith.divf %sub3A_168, %div3A_174 : vector<4096x512xf32>
    %get3A_176 = arith.constant 0 : index
    %get3A_177 = arith.constant 0 : index
    %get3A_178 = vector.load %arg9[%get3A_176, %get3A_177] : memref<1x512xf32, #tpu.memory_space<vmem>>, vector<1x512xf32>
    %get3A_179 = vector.shape_cast %get3A_178 : vector<1x512xf32> to vector<512xf32>
    %broadcast_in_dim3A_180 = vector.shape_cast %get3A_179 : vector<512xf32> to vector<1x512xf32>
    %mul3A_181 = vector.broadcast %broadcast_in_dim3A_180 : vector<1x512xf32> to vector<4096x512xf32>
    %mul3A_182 = arith.mulf %div3A_175, %mul3A_181 : vector<4096x512xf32>
    %get3A_183 = arith.constant 0 : index
    %get3A_184 = arith.constant 0 : index
    %get3A_185 = vector.load %arg10[%get3A_183, %get3A_184] : memref<1x512xf32, #tpu.memory_space<vmem>>, vector<1x512xf32>
    %get3A_186 = vector.shape_cast %get3A_185 : vector<1x512xf32> to vector<512xf32>
    %broadcast_in_dim3A_187 = vector.shape_cast %get3A_186 : vector<512xf32> to vector<1x512xf32>
    %add3A_188 = vector.broadcast %broadcast_in_dim3A_187 : vector<1x512xf32> to vector<4096x512xf32>
    %add3A_189 = arith.addf %mul3A_182, %add3A_188 : vector<4096x512xf32>
    %max3A_190 = arith.constant 0.000000e+00 : f32
    %max3A_191 = vector.broadcast %max3A_190 : f32 to vector<4096x512xf32>
    %max3A_192 = arith.maximumf %add3A_189, %max3A_191 : vector<4096x512xf32>
    %get3A_193 = arith.constant 0 : index
    %get3A_194 = arith.constant 0 : index
    %get3A_195 = vector.load %arg11[%get3A_193, %get3A_194] : memref<512x256xf32, #tpu.memory_space<vmem>>, vector<512x256xf32>
    %dot_general3A_196 = arith.constant dense<0.000000e+00> : vector<4096x256xf32>
    %dot_general3A_197 = tpu.matmul %max3A_192, %get3A_195, %dot_general3A_196 {dimension_numbers = #tpu.dot_dimension_numbers<[1], [0], [0], [1], [0, 0, 1, 1], [], []>, transpose_lhs_hint = false} : vector<4096x512xf32>, vector<512x256xf32>, vector<4096x256xf32> -> vector<4096x256xf32>
    %reduce_sum3A_198 = arith.constant dense<0.000000e+00> : vector<256xf32>
    %reduce_sum3A_199 = vector.multi_reduction <add>, %dot_general3A_197, %reduce_sum3A_198 [0] : vector<4096x256xf32> to vector<256xf32>
    %div3A_200 = arith.constant 4.096000e+03 : f32
    %div3A_201 = vector.broadcast %div3A_200 : f32 to vector<256xf32>
    %div3A_202 = arith.divf %reduce_sum3A_199, %div3A_201 : vector<256xf32>
    %mul3A_203 = arith.mulf %dot_general3A_197, %dot_general3A_197 : vector<4096x256xf32>
    %reduce_sum3A_204 = arith.constant dense<0.000000e+00> : vector<256xf32>
    %reduce_sum3A_205 = vector.multi_reduction <add>, %mul3A_203, %reduce_sum3A_204 [0] : vector<4096x256xf32> to vector<256xf32>
    %div3A_206 = arith.constant 4.096000e+03 : f32
    %div3A_207 = vector.broadcast %div3A_206 : f32 to vector<256xf32>
    %div3A_208 = arith.divf %reduce_sum3A_205, %div3A_207 : vector<256xf32>
    %mul3A_209 = arith.mulf %div3A_202, %div3A_202 : vector<256xf32>
    %sub3A_210 = arith.subf %div3A_208, %mul3A_209 : vector<256xf32>
    %broadcast_in_dim3A_211 = vector.shape_cast %div3A_202 : vector<256xf32> to vector<1x256xf32>
    %sub3A_212 = vector.broadcast %broadcast_in_dim3A_211 : vector<1x256xf32> to vector<4096x256xf32>
    %sub3A_213 = arith.subf %dot_general3A_197, %sub3A_212 : vector<4096x256xf32>
    %add3A_214 = arith.constant 9.99999974E-6 : f32
    %add3A_215 = vector.broadcast %add3A_214 : f32 to vector<256xf32>
    %add3A_216 = arith.addf %sub3A_210, %add3A_215 : vector<256xf32>
    %sqrt3A_217 = math.sqrt %add3A_216 : vector<256xf32>
    %broadcast_in_dim3A_218 = vector.shape_cast %sqrt3A_217 : vector<256xf32> to vector<1x256xf32>
    %div3A_219 = vector.broadcast %broadcast_in_dim3A_218 : vector<1x256xf32> to vector<4096x256xf32>
    %div3A_220 = arith.divf %sub3A_213, %div3A_219 : vector<4096x256xf32>
    %get3A_221 = arith.constant 0 : index
    %get3A_222 = arith.constant 0 : index
    %get3A_223 = vector.load %arg12[%get3A_221, %get3A_222] : memref<1x256xf32, #tpu.memory_space<vmem>>, vector<1x256xf32>
    %get3A_224 = vector.shape_cast %get3A_223 : vector<1x256xf32> to vector<256xf32>
    %broadcast_in_dim3A_225 = vector.shape_cast %get3A_224 : vector<256xf32> to vector<1x256xf32>
    %mul3A_226 = vector.broadcast %broadcast_in_dim3A_225 : vector<1x256xf32> to vector<4096x256xf32>
    %mul3A_227 = arith.mulf %div3A_220, %mul3A_226 : vector<4096x256xf32>
    %get3A_228 = arith.constant 0 : index
    %get3A_229 = arith.constant 0 : index
    %get3A_230 = vector.load %arg13[%get3A_228, %get3A_229] : memref<1x256xf32, #tpu.memory_space<vmem>>, vector<1x256xf32>
    %get3A_231 = vector.shape_cast %get3A_230 : vector<1x256xf32> to vector<256xf32>
    %broadcast_in_dim3A_232 = vector.shape_cast %get3A_231 : vector<256xf32> to vector<1x256xf32>
    %add3A_233 = vector.broadcast %broadcast_in_dim3A_232 : vector<1x256xf32> to vector<4096x256xf32>
    %add3A_234 = arith.addf %mul3A_227, %add3A_233 : vector<4096x256xf32>
    %max3A_235 = arith.constant 0.000000e+00 : f32
    %max3A_236 = vector.broadcast %max3A_235 : f32 to vector<4096x256xf32>
    %max3A_237 = arith.maximumf %add3A_234, %max3A_236 : vector<4096x256xf32>
    %get3A_238 = arith.constant 0 : index
    %get3A_239 = arith.constant 0 : index
    %get3A_240 = vector.load %arg14[%get3A_238, %get3A_239] : memref<256x128xf32, #tpu.memory_space<vmem>>, vector<256x128xf32>
    %dot_general3A_241 = arith.constant dense<0.000000e+00> : vector<4096x128xf32>
    %dot_general3A_242 = tpu.matmul %max3A_237, %get3A_240, %dot_general3A_241 {dimension_numbers = #tpu.dot_dimension_numbers<[1], [0], [0], [1], [0, 0, 1, 1], [], []>, transpose_lhs_hint = false} : vector<4096x256xf32>, vector<256x128xf32>, vector<4096x128xf32> -> vector<4096x128xf32>
    %get3A_243 = arith.constant 0 : index
    %get3A_244 = arith.constant 0 : index
    %get3A_245 = vector.load %arg15[%get3A_243, %get3A_244] : memref<1x128xf32, #tpu.memory_space<vmem>>, vector<1x128xf32>
    %get3A_246 = vector.shape_cast %get3A_245 : vector<1x128xf32> to vector<128xf32>
    %broadcast_in_dim3A_247 = vector.shape_cast %get3A_246 : vector<128xf32> to vector<1x128xf32>
    %add3A_248 = vector.broadcast %broadcast_in_dim3A_247 : vector<1x128xf32> to vector<4096x128xf32>
    %add3A_249 = arith.addf %dot_general3A_242, %add3A_248 : vector<4096x128xf32>
    %swap3A = arith.constant 0 : index
    %swap3A_250 = arith.constant 0 : index
    %swap3A_251 = vector.load %arg16[%swap3A, %swap3A_250] : memref<4096x128xf32, #tpu.memory_space<vmem>>, vector<4096x128xf32>
    tpu.vector_store %arg16[%swap3A, %swap3A_250], %add3A_249 {strides = array<i32>} : memref<4096x128xf32, #tpu.memory_space<vmem>>, vector<4096x128xf32>,
    return
  }
}

</mosaic_0001>

<sc_bundles>
// kernel: kernel.19.cloned.1.call-start
scs
__scs_entry_jumppad:
0x0: {  	(pc) =	sbr.rel $0x88, $3  }
0x1: {  	(tag) =	ssettag $0x0;
	lr =	simm.s32 $0x1  }
0x2: {  	[smem:$0x3F89] =	sst lr;
	_ =	strace $0xD0000000  }
0x3: {  	_ = 	snop  }
0x4: {  	_ = 	snop  }
0x5: {  	_ = 	snop  }
0x6: {  	_ = 	snop  }
0x7: {  	_ = 	snop  }
__scs_overlays_trampoline_lowered:
0x8: {  	[smem:$0x3F98] =	sst s0  }
0x9: {  	[smem:$0x3F99] =	sst s1  }
0xa: {  	[smem:$0x3F9A] =	sst s2  }
0xb: {  	[smem:$0x3F9B] =	sst s3  }
0xc: {  	[smem:$0x3F9C] =	sst s4  }
0xd: {  	[smem:$0x3F9D] =	sst s5  }
0xe: {  	[smem:$0x3F9E] =	sst s6  }
0xf: {  	[smem:$0x3F9F] =	sst s7  }
0x10: {  	[smem:$0x3FA0] =	sst s8  }
0x11: {  	[smem:$0x3FA1] =	sst s9;
	s0 =	simm.s32 @!p0 $0x0  }
0x12: {  	s1 =	sld [smem:$0x3F87];
	s0 =	simm.s32 @p0 $0x1  }
0x13: {  	[smem:$0x3FA2] =	sst s0;
	s0 =	simm.s32 @!p1 $0x0  }
0x14: {  	s2 =	sld [smem:$0x3F86];
	s0 =	simm.s32 @p1 $0x1  }
0x15: {  	[smem:$0x3FA3] =	sst s0;
	s0 =	simm.s32 @!p2 $0x0  }
0x16: {  	s3 =	sld [smem:$0x3FDB];
	s0 =	simm.s32 @p2 $0x1  }
0x17: {  	s4 =	simm.s32 $0x1BF5;
	[smem:$0x3FA5] =	sst s0  }
0x18: {  	s0 =	sld [smem:$0x3F88];
	_ =	swait.ge [sflag:s4], $0x0  }
0x19: {  	s7 =	sld [smem:$0x3F89]  }
0x1a: {  	s8 =	sadd.s32 $0xFFFFE003, lr  }
0x1b: {  	s9 =	sadd.s32 $0xFFFFFEF7, lr;
	s5 =	simm.s32 $0xFFFFFFFF;
	p2 =	slt.u32 s8, $0xFFFFF086  }
0x1c: {  	p1 =	slt.u32 s9, $0xF7A;
	s5 =	simm.s32 @!p2 $0x0  }
0x1d: {  	s5 =	simm.s32 @p1 $0x1;
	p0 =	seq.s32 s7, s2  }
0x1e: {  	s7 =	smul.u32 @!p0 $0xF7A, s2;
	p2 =	seq.s32 @!p0 s5, $0x0  }
0x1f: {  	s9 =	smul.u32 $0xF7A, s1;
	s8 =	simm.s32 @!p0 $0x1BF5;
	p2 =	por !p2, p0  }
0x20: {  	[sflag:s8] =	ssyncset.s32 @!p0 $0xFFFFF086;
	s6 =	sadd.s32 @!p0 s3, s7;
	s7 =	simm.s32 @!p0 $0x108  }
0x21: {  	s3 =	sadd.s32 s3, s9;
	s6 =	sadd.s32 @!p0 $0x88, s6;
	s7 =	simm.s32 @p2 $0x1082  }
0x22: {  	[simem:s7], [sflag:s8] =	dma.local @!p0 [hbm:s6], $0xF7A  }
0x23: {  	s9 =	sor.u32 $0xD0000000, s2;
	s6 =	simm.s32 $0x108;
	_ =	swait.ge @!p0 [sflag:s8], $0x0  }
0x24: {  	s3 =	sadd.s32 $0x88, s3;
	s6 =	simm.s32 @!p1 $0x1082;
	[sflag:s4] =	ssyncset.s32 $0xFFFFF086  }
0x25: {  	[simem:s6], [sflag:s4] =	dma.local [hbm:s3], $0xF7A  }
0x26: {  	[smem:$0x3F89] =	sst s1;
	(tag) =	ssettag s2;
	_ =	strace s9  }
0x27: {  	s1 =	sld [smem:$0x3F99]  }
0x28: {  	s2 =	sld [smem:$0x3F9A]  }
0x29: {  	s4 =	sld [smem:$0x3F9C]  }
0x2a: {  	p0 =	seq.s32 s5, $0x0;
	s5 =	sld [smem:$0x3F9D]  }
0x2b: {  	s6 =	sld [smem:$0x3F9E]  }
0x2c: {  	s7 =	sld [smem:$0x3F9F]  }
0x2d: {  	s3 =	simm.s32 $0x108;
	s8 =	sld [smem:$0x3FA0]  }
0x2e: {  	s3 =	simm.s32 @!p0 $0x1082;
	s9 =	sld [smem:$0x3FA1]  }
0x2f: {  	lr =	sadd.s32 s0, s3;
	s0 =	sld [smem:$0x3F98]  }
0x30: {  	s3 =	sld [smem:$0x3F9B]  }
0x31: {  	[smem:$0x3FA4] =	sst s10  }
0x32: {  	s10 =	sld [smem:$0x3FA2];
	_ =	sdelay $0x3  }
0x33: {  	p0 =	seq.s32 s10, $0x1;
	s10 =	sld [smem:$0x3FA4];
	_ =	sdelay $0x3  }
0x34: {  	[smem:$0x3FA4] =	sst s10  }
0x35: {  	s10 =	sld [smem:$0x3FA3];
	_ =	sdelay $0x3  }
0x36: {  	p1 =	seq.s32 s10, $0x1;
	s10 =	sld [smem:$0x3FA4];
	_ =	sdelay $0x3  }
0x37: {  	[smem:$0x3FA4] =	sst s10  }
0x38: {  	s10 =	sld [smem:$0x3FA5]  }
0x39: {  	_ = 	snop;
	(pc) =	sbr.ind lr, $3  }
0x3a: {  	_ = 	snop  }
0x3b: {  	_ = 	snop  }
0x3c: {  	p2 =	seq.s32 s10, $0x1;
	s10 =	sld [smem:$0x3FA4]  }
0x3d: {  	_ =	shalt  }
0x3e: {  	_ =	shalt  }
0x3f: {  	_ =	shalt  }
0x40: {  	_ =	shalt  }
0x41: {  	_ =	shalt  }
0x42: {  	_ =	shalt  }
0x43: {  	_ =	shalt  }
0x44: {  	_ =	shalt  }
0x45: {  	_ =	shalt  }
0x46: {  	_ =	shalt  }
0x47: {  	_ =	shalt  }
0x48: {  	_ =	shalt  }
0x49: {  	_ =	shalt  }
0x4a: {  	_ =	shalt  }
0x4b: {  	_ =	shalt  }
0x4c: {  	_ =	shalt  }
0x4d: {  	_ =	shalt  }
0x4e: {  	_ =	shalt  }
0x4f: {  	_ =	shalt  }
0x50: {  	_ =	shalt  }
0x51: {  	_ =	shalt  }
0x52: {  	_ =	shalt  }
0x53: {  	_ =	shalt  }
0x54: {  	_ =	shalt  }
0x55: {  	_ =	shalt  }
0x56: {  	_ =	shalt  }
0x57: {  	_ =	shalt  }
0x58: {  	_ =	shalt  }
0x59: {  	_ =	shalt  }
0x5a: {  	_ =	shalt  }
0x5b: {  	_ =	shalt  }
0x5c: {  	_ =	shalt  }
0x5d: {  	_ =	shalt  }
0x5e: {  	_ =	shalt  }
0x5f: {  	_ =	shalt  }
0x60: {  	_ =	shalt  }
0x61: {  	_ =	shalt  }
0x62: {  	_ =	shalt  }
0x63: {  	_ =	shalt  }
0x64: {  	_ =	shalt  }
0x65: {  	_ =	shalt  }
0x66: {  	_ =	shalt  }
0x67: {  	_ =	shalt  }
0x68: {  	_ =	shalt  }
0x69: {  	_ =	shalt  }
0x6a: {  	_ =	shalt  }
0x6b: {  	_ =	shalt  }
0x6c: {  	_ =	shalt  }
0x6d: {  	_ =	shalt  }
0x6e: {  	_ =	shalt  }
0x6f: {  	_ =	shalt  }
0x70: {  	_ =	shalt  }
0x71: {  	_ =	shalt  }
0x72: {  	_ =	shalt  }
0x73: {  	_ =	shalt  }
0x74: {  	_ =	shalt  }
0x75: {  	_ =	shalt  }
0x76: {  	_ =	shalt  }
0x77: {  	_ =	shalt  }
0x78: {  	_ =	shalt  }
0x79: {  	_ =	shalt  }
0x7a: {  	_ =	shalt  }
0x7b: {  	_ =	shalt  }
0x7c: {  	_ =	shalt  }
0x7d: {  	_ =	shalt  }
0x7e: {  	_ =	shalt  }
0x7f: {  	_ =	shalt  }
0x80: {  	_ =	shalt  }
0x81: {  	_ =	shalt  }
0x82: {  	_ =	shalt  }
0x83: {  	_ =	shalt  }
0x84: {  	_ =	shalt  }
0x85: {  	_ =	shalt  }
0x86: {  	_ =	shalt  }
0x87: {  	_ =	shalt  }
.Lfunc_end0:
.L_simem_size_0:
called_computation_lowered:
.L_overlay_start_0:
0x88: {  	s2 =	sld [smem:$0x3FD9]  }
0x89: {  	s3 =	sld [smem:$0x3FFE];
	_ =	sdelay $0x1  }
0x8a: {  	s1 =	srdreg.scid  }
0x8b: {  	s0 =	sand.u32 $0x1, s1  }
0x8c: {  	s16 =	sshll.u32 s0, $0xA;
	s2 =	sadd.s32 s3, s2  }
0x8d: {  	s2 =	sadd.s32 s2, s16  }
0x8e: {  	[smem:$0x3FB0] =	sst s2  }
0x8f: {  	_ = 	snop  }
0x90: {  	(tm) =	ssettm $0x1  }
0x91: {  	s17 =	sld [smem:$0x3FFB];
	_ =	sdelay $0x3  }
0x92: {  	_ =	strace s17  }
0x93: {  	s2 =	sld [smem:$0x3FFC];
	_ =	sdelay $0x3  }
0x94: {  	_ =	strace s2  }
0x95: {  	s2 =	sld [smem:$0x3FFD];
	_ =	sdelay $0x3  }
0x96: {  	_ =	strace s2  }
0x97: {  	_ =	strace $0x8FFFFFFF  }
0x98: {  	s18 =	sld [smem:$0x3FDB];
	_ =	sdelay $0x1  }
0x99: {  	s19 =	simm.s32 $_scs_section_size  }
0x9a: {  	s4 =	simm.s32 $_size__tile_overlayer_lowered;
	s5 =	simm.s32 $_tile_overlayer_lowered  }
0x9b: {  	s22 =	simm.s32 $0x1BFF;
	s21 =	sshll.u32 s5, $0x1;
	s2 =	sadd.s32 s19, s18  }
0x9c: {  	s6 =	simm.s32 $0x0;
	s20 =	sshll.u32 s4, $0x1;
	s4 =	sadd.s32 s21, s2  }
0x9d: {  	[timem:s6], [sflag:s22] =	dma.local [hbm:s4], s20  }
0x9e: {  	_ =	swait.ge [sflag:s22], s20  }
0x9f: {  	s3 =	ssub.s32 $0x0, s20;
	[sflag:s22] =	ssyncset.done $0x0  }
0xa0: {  	[sflag:s22] =	ssyncadd.s32 s3;
	_ =	sdelay $0x1  }
0xa1: {  	s23 =	simm.s32 $0x1B8B  }
0xa2: {  	_ =	swait.ge [sflag:s23], $0x1  }
0xa3: {  	[sflag:s23] =	ssyncset.done $0x0  }
0xa4: {  	s25 =	simm.s32 $0x1B8E;
	s24 =	sld [smem:$0x3FFE];
	[sflag:s23] =	ssyncadd.s32 $0xFFFFFFFF  }
0xa5: {  	s26 =	simm.s32 $execute0_lowered;
	[smem:$0x3FD2] =	sst s25  }
0xa6: {  	s4 =	sshll.u32 s26, $0x1;
	_ =	strace $0x80000046;
	[dreg:$0x1] =	wrdreg $0xFFFFFFFF  }
0xa7: {  	s28 =	simm.s32 $_size_execute0_lowered;
	s2 =	sadd.s32 s2, s4;
	[dreg:$0x0] =	wrdreg $0x0  }
0xa8: {  	s4 =	sshll.u32 s28, $0x1;
	[dreg:$0x2] =	wrdreg s2  }
0xa9: {  	[dreg:$0x3] =	wrdreg s4  }
0xaa: {  	[dreg:$0x4] =	wrdreg $0xC0  }
0xab: {  	_ =	task [dreg:s6], $0x5FFFF  }
0xac: {  	[dreg:$0x1] =	wrdreg $0xFFFFFFFF  }
0xad: {  	[dreg:$0x0] =	wrdreg $0x60  }
0xae: {  	[dreg:$0x2] =	wrdreg s24  }
0xaf: {  	[dreg:$0x3] =	wrdreg $0x9  }
0xb0: {  	_ =	task.clear_ibuf [dreg:s6], $0x4FFFF;
	_ =	strace $0x90000046  }
0xb1: {  	s29 =	simm.s32 $0x9;
	_ =	strace $0x80000048  }
0xb2: {  	_ =	swait.ge [sflag:s29], $0x1  }
0xb3: {  	[sflag:s29] =	ssyncadd.s32 $0xFFFFFFFF  }
0xb4: {  	_ =	strace $0x90000048  }
0xb5: {  	_ =	sfence  }
0xb6: {  	s30 =	sld [smem:$0x0];
	_ =	sdelay $0x2  }
0xb7: {  	s31 =	sshll.u32 s1, $0xD;
	s1 =	sshrl.u32 s1, $0x2  }
0xb8: {  	s3 =	sand.u32 $0x4000, s31;
	s1 =	sadd.s32 s1, s30  }
0xb9: {  	s0 =	sor.u32 s3, s0;
	s1 =	sshll.u32 s1, $0x11  }
0xba: {  	s0 =	sor.u32 s1, s0  }
0xbb: {  	s0 =	sadd.s32 $0x8F2B, s0  }
0xbc: {  	[sflag:s0] =	ssyncadd.remote.s32 $0x1  }
0xbd: {  	_ =	sfence.sel $0xFFFF  }
0xbe: {  	[dreg:$0x0] =	wrdreg $0xFFFFFFFF;
	(pc) =	sbr.abs _section_cstart, $3  }
0xbf: {  	[dreg:$0x1] =	wrdreg $0xFFFFFFFF  }
0xc0: {  	_ =	task.clear_ibuf [dreg:s6], $0x2FFFF;
	_ =	strace $0x9FFFFFFF  }
0xc1: {  	(tm) =	ssettm $0x7FFFFFFF  }
tec
execute0_lowered:
.L_overlay_start_1:
0x0: {  	(tag) =	ssettag $0x1  }
0x1: {  	s1 =	srdreg.scid;
	s0 =	stileid.u32  }
0x2: {  	s4 =	rddreg [dreg:$0x0];
	s2 =	simm.s32 $0x0;
	s10 =	simm.s32 $0x1  }
0x3: {  	s3 =	sand.u32 $0x1, s1;
	s5 =	smul.u32 $0x1400, s0;
	s1 =	rddreg [dreg:$0x1]  }
0x4: {  	s11 =	simm.s32 $0x0;
	[smem:$0x7FF] =	sst s2;
	s30 =	smul.u32 $0x14000, s0  }
0x5: {  	s6 =	smul.u32 $0xA00, s3;
	_ =	strace $0x80000047;
	s7 =	ssub.s32 $0x2, s3  }
0x6: {  	s9 =	smul.u32 $0xA000, s3;
	s3 =	sadd.s32 $0x3000, s4;
	s8 =	sshrl.u32 s7, $0x1  }
0x7: {  	s5 =	sadd.s32 s6, s5;
	s6 =	sadd.s32 s30, s4;
	s31 =	ssub.s32 s7, s8  }
0x8: {  	s7 =	simm.s32 $0x2;
	s8 =	simm.s32 $0xA0;
	s5 =	sshrl.u32 s5, $0x3  }
0x9: {  	s6 =	sadd.s32 s9, s6;
	s9 =	simm.s32 $0x100;
	s5 =	sadd.s32 s5, s4  }
0xa: {  	s4 =	smax.u32 s31, $0x1;
	s6 =	sadd.s32 $0x15800, s6;
	s5 =	sadd.s32 $0x13000, s5  }
.LBB2_1:
0xb: {  	s12 =	sadd.s32 $0x0, s5  }
0xc: {  	[tilespmem:s2], [sflag:$0x2] =	stream.linear.gather [hbm4b:s12+s2], $0xA0, $0x38;
	[tilespmem:$0x5100] =	vst v63  }
0xd: {  	_ =	swait.ge [sflag:s7], $0xA0  }
0xe: {  	[sflag:s7] =	ssyncset.done $0x0  }
0xf: {  	[sflag:s7] =	ssyncadd.s32 $0xFFFFFF60  }
0x10: {  	[tilespmem:s9], [sflag:$0x1] =	stream.indirect.gather [hbm4b:s3+s8], $0x80, s2, s8, $0xb8;
	[tilespmem:$0x5100] =	vst v63  }
0x11: {  	_ =	swait.ge [sflag:s10], $0x5000  }
0x12: {  	[sflag:s10] =	ssyncset.done $0x0  }
0x13: {  	[sflag:s10] =	ssyncadd.s32 $0xFFFFB000  }
0x14: {  	[hbm4b:s6+s2] =	stream.linear.scatter [tilespmem:s9], [sflag:$0x2], $0x5000, $0x38;
	[tilespmem:$0x5100] =	vst v63  }
0x15: {  	s13 =	simm.s32 $0x14;
	_ =	swait.ge [sflag:s7], $0x5000  }
0x16: {  	s14 =	simm.s32 $0x28;
	s12 =	sadd.s32 $0xA00, s6;
	[sflag:s7] =	ssyncset.done $0x0  }
.LBB2_2:
0x17: {  	s15 =	sadd.s32 s13, s5  }
0x18: {  	[sflag:s7] =	ssyncadd.s32 $0xFFFFB000;
	s13 =	smov.u32 s14;
	s16 =	sadd.s32 $0x14, s14  }
0x19: {  	[tilespmem:s2], [sflag:$0x2] =	stream.linear.gather [hbm4b:s15+s2], $0xA0, $0x38;
	[tilespmem:$0x5100] =	vst v63  }
0x1a: {  	p0 =	sne.s32 s14, $0x12C;
	_ =	swait.ge [sflag:s7], $0xA0  }
0x1b: {  	[sflag:s7] =	ssyncset.done $0x0  }
0x1c: {  	[sflag:s7] =	ssyncadd.s32 $0xFFFFFF60  }
0x1d: {  	[tilespmem:s9], [sflag:$0x1] =	stream.indirect.gather [hbm4b:s3+s8], $0x80, s2, s8, $0xb8;
	[tilespmem:$0x5100] =	vst v63  }
0x1e: {  	_ =	swait.ge [sflag:s10], $0x5000  }
.Ltmp0:
0x1f: {  	[sflag:s10] =	ssyncset.done $0x0;
	(pc) =	sbr.rel @p0 .LBB2_2-.Ltmp0, $4  }
0x20: {  	[sflag:s10] =	ssyncadd.s32 $0xFFFFB000  }
0x21: {  	[hbm4b:s12+s2] =	stream.linear.scatter [tilespmem:s9], [sflag:$0x2], $0x5000, $0x38;
	[tilespmem:$0x5100] =	vst v63  }
0x22: {  	_ =	swait.ge [sflag:s7], $0x5000  }
0x23: {  	s14 =	smov.u32 s16;
	s12 =	sadd.s32 $0xA00, s12;
	[sflag:s7] =	ssyncset.done $0x0  }
0x24: {  	s13 =	sadd.s32 s13, s5;
	[sflag:s7] =	ssyncadd.s32 $0xFFFFB000  }
0x25: {  	[tilespmem:s2], [sflag:$0x2] =	stream.linear.gather [hbm4b:s13+s2], $0xA0, $0x38;
	[tilespmem:$0x5100] =	vst v63  }
0x26: {  	_ =	swait.ge [sflag:s7], $0xA0  }
0x27: {  	[sflag:s7] =	ssyncset.done $0x0  }
0x28: {  	[sflag:s7] =	ssyncadd.s32 $0xFFFFFF60  }
0x29: {  	[tilespmem:s9], [sflag:$0x1] =	stream.indirect.gather [hbm4b:s3+s8], $0x80, s2, s8, $0xb8;
	[tilespmem:$0x5100] =	vst v63  }
0x2a: {  	s11 =	sadd.s32 $0x1, s11;
	_ =	swait.ge [sflag:s10], $0x5000  }
0x2b: {  	p0 =	sne.s32 s11, s4;
	[sflag:s10] =	ssyncset.done $0x0  }
.Ltmp1:
0x2c: {  	[sflag:s10] =	ssyncadd.s32 $0xFFFFB000;
	(pc) =	sbr.rel @p0 .LBB2_1-.Ltmp1, $4  }
0x2d: {  	[hbm4b:s12+s2] =	stream.linear.scatter [tilespmem:s9], [sflag:$0x2], $0x5000, $0x38;
	[tilespmem:$0x5100] =	vst v63  }
0x2e: {  	_ =	swait.ge [sflag:s7], $0x5000  }
0x2f: {  	[sflag:s7] =	ssyncset.done $0x0  }
0x30: {  	[sflag:s7] =	ssyncadd.s32 $0xFFFFB000  }
0x31: {  	_ =	sfence.sel $0x180000  }
0x32: {  	[bflag:$0x0] =	sbarrier.arrive $0xFFFF  }
0x33: {  	p0 =	sne.s32 s0, $0x0;
	_ =	strace $0x90000047  }
0x34: {  	s0 =	sadd.s32 @!p0 $0x100000, s1;
	[bflag:$0x2] =	sbarrier.arrive $0xFFFF  }
0x35: {  	[sflag:s0] =	ssyncadd.tile.s32 @!p0 $0x1;
	_ =	shalt  }
.Lfunc_end2:
_tile_overlayer_lowered:
.L_overlay_start_2:
0x36: {  	(tag) =	ssettag $0x2  }
0x37: {  	s0 =	rddreg [dreg:$0x0];
	s2 =	stileid.u32  }
0x38: {  	s1 =	rddreg [dreg:$0x1];
	p0 =	sne.s32 s2, $0x0  }
0x39: {  	s3 =	rddreg [dreg:$0x2];
	[bflag:$0x3] =	sbarrier.arrive $0xFFFF;
	s2 =	simm.s32 @!p0 $0x1C02  }
0x3a: {  	[timem:s3], [sflag:s2] =	dma.local @!p0 [hbm:s0], s1  }
0x3b: {  	s0 =	simm.s32 @!p0 $0x2  }
0x3c: {  	_ =	swait.ge @!p0 [sflag:s0], s1  }
0x3d: {  	s1 =	ssub.s32 @!p0 $0x0, s1;
	[sflag:s0] =	ssyncset.done @!p0 $0x0  }
0x3e: {  	[sflag:s0] =	ssyncadd.s32 @!p0 s1  }
0x3f: {  	[bflag:$0x3] =	sbarrier.arrive $0xFFFF  }
0x40: {  	_ =	shalt  }

// kernel: kernel.22.cloned.1.call-start
scs
__scs_entry_jumppad:
0x0: {  	(pc) =	sbr.rel $0x88, $3  }
0x1: {  	(tag) =	ssettag $0x0;
	lr =	simm.s32 $0x1  }
0x2: {  	[smem:$0x3F89] =	sst lr;
	_ =	strace $0xD0000000  }
0x3: {  	_ = 	snop  }
0x4: {  	_ = 	snop  }
0x5: {  	_ = 	snop  }
0x6: {  	_ = 	snop  }
0x7: {  	_ = 	snop  }
__scs_overlays_trampoline_lowered:
0x8: {  	[smem:$0x3F98] =	sst s0  }
0x9: {  	[smem:$0x3F99] =	sst s1  }
0xa: {  	[smem:$0x3F9A] =	sst s2  }
0xb: {  	[smem:$0x3F9B] =	sst s3  }
0xc: {  	[smem:$0x3F9C] =	sst s4  }
0xd: {  	[smem:$0x3F9D] =	sst s5  }
0xe: {  	[smem:$0x3F9E] =	sst s6  }
0xf: {  	[smem:$0x3F9F] =	sst s7  }
0x10: {  	[smem:$0x3FA0] =	sst s8  }
0x11: {  	[smem:$0x3FA1] =	sst s9;
	s0 =	simm.s32 @!p0 $0x0  }
0x12: {  	s1 =	sld [smem:$0x3F87];
	s0 =	simm.s32 @p0 $0x1  }
0x13: {  	[smem:$0x3FA2] =	sst s0;
	s0 =	simm.s32 @!p1 $0x0  }
0x14: {  	s2 =	sld [smem:$0x3F86];
	s0 =	simm.s32 @p1 $0x1  }
0x15: {  	[smem:$0x3FA3] =	sst s0;
	s0 =	simm.s32 @!p2 $0x0  }
0x16: {  	s3 =	sld [smem:$0x3FDB];
	s0 =	simm.s32 @p2 $0x1  }
0x17: {  	s4 =	simm.s32 $0x1BF5;
	[smem:$0x3FA5] =	sst s0  }
0x18: {  	s0 =	sld [smem:$0x3F88];
	_ =	swait.ge [sflag:s4], $0x0  }
0x19: {  	s7 =	sld [smem:$0x3F89]  }
0x1a: {  	s8 =	sadd.s32 $0xFFFFE003, lr  }
0x1b: {  	s9 =	sadd.s32 $0xFFFFFEF7, lr;
	s5 =	simm.s32 $0xFFFFFFFF;
	p2 =	slt.u32 s8, $0xFFFFF086  }
0x1c: {  	p1 =	slt.u32 s9, $0xF7A;
	s5 =	simm.s32 @!p2 $0x0  }
0x1d: {  	s5 =	simm.s32 @p1 $0x1;
	p0 =	seq.s32 s7, s2  }
0x1e: {  	s7 =	smul.u32 @!p0 $0xF7A, s2;
	p2 =	seq.s32 @!p0 s5, $0x0  }
0x1f: {  	s9 =	smul.u32 $0xF7A, s1;
	s8 =	simm.s32 @!p0 $0x1BF5;
	p2 =	por !p2, p0  }
0x20: {  	[sflag:s8] =	ssyncset.s32 @!p0 $0xFFFFF086;
	s6 =	sadd.s32 @!p0 s3, s7;
	s7 =	simm.s32 @!p0 $0x108  }
0x21: {  	s3 =	sadd.s32 s3, s9;
	s6 =	sadd.s32 @!p0 $0x88, s6;
	s7 =	simm.s32 @p2 $0x1082  }
0x22: {  	[simem:s7], [sflag:s8] =	dma.local @!p0 [hbm:s6], $0xF7A  }
0x23: {  	s9 =	sor.u32 $0xD0000000, s2;
	s6 =	simm.s32 $0x108;
	_ =	swait.ge @!p0 [sflag:s8], $0x0  }
0x24: {  	s3 =	sadd.s32 $0x88, s3;
	s6 =	simm.s32 @!p1 $0x1082;
	[sflag:s4] =	ssyncset.s32 $0xFFFFF086  }
0x25: {  	[simem:s6], [sflag:s4] =	dma.local [hbm:s3], $0xF7A  }
0x26: {  	[smem:$0x3F89] =	sst s1;
	(tag) =	ssettag s2;
	_ =	strace s9  }
0x27: {  	s1 =	sld [smem:$0x3F99]  }
0x28: {  	s2 =	sld [smem:$0x3F9A]  }
0x29: {  	s4 =	sld [smem:$0x3F9C]  }
0x2a: {  	p0 =	seq.s32 s5, $0x0;
	s5 =	sld [smem:$0x3F9D]  }
0x2b: {  	s6 =	sld [smem:$0x3F9E]  }
0x2c: {  	s7 =	sld [smem:$0x3F9F]  }
0x2d: {  	s3 =	simm.s32 $0x108;
	s8 =	sld [smem:$0x3FA0]  }
0x2e: {  	s3 =	simm.s32 @!p0 $0x1082;
	s9 =	sld [smem:$0x3FA1]  }
0x2f: {  	lr =	sadd.s32 s0, s3;
	s0 =	sld [smem:$0x3F98]  }
0x30: {  	s3 =	sld [smem:$0x3F9B]  }
0x31: {  	[smem:$0x3FA4] =	sst s10  }
0x32: {  	s10 =	sld [smem:$0x3FA2];
	_ =	sdelay $0x3  }
0x33: {  	p0 =	seq.s32 s10, $0x1;
	s10 =	sld [smem:$0x3FA4];
	_ =	sdelay $0x3  }
0x34: {  	[smem:$0x3FA4] =	sst s10  }
0x35: {  	s10 =	sld [smem:$0x3FA3];
	_ =	sdelay $0x3  }
0x36: {  	p1 =	seq.s32 s10, $0x1;
	s10 =	sld [smem:$0x3FA4];
	_ =	sdelay $0x3  }
0x37: {  	[smem:$0x3FA4] =	sst s10  }
0x38: {  	s10 =	sld [smem:$0x3FA5]  }
0x39: {  	_ = 	snop;
	(pc) =	sbr.ind lr, $3  }
0x3a: {  	_ = 	snop  }
0x3b: {  	_ = 	snop  }
0x3c: {  	p2 =	seq.s32 s10, $0x1;
	s10 =	sld [smem:$0x3FA4]  }
0x3d: {  	_ =	shalt  }
0x3e: {  	_ =	shalt  }
0x3f: {  	_ =	shalt  }
0x40: {  	_ =	shalt  }
0x41: {  	_ =	shalt  }
0x42: {  	_ =	shalt  }
0x43: {  	_ =	shalt  }
0x44: {  	_ =	shalt  }
0x45: {  	_ =	shalt  }
0x46: {  	_ =	shalt  }
0x47: {  	_ =	shalt  }
0x48: {  	_ =	shalt  }
0x49: {  	_ =	shalt  }
0x4a: {  	_ =	shalt  }
0x4b: {  	_ =	shalt  }
0x4c: {  	_ =	shalt  }
0x4d: {  	_ =	shalt  }
0x4e: {  	_ =	shalt  }
0x4f: {  	_ =	shalt  }
0x50: {  	_ =	shalt  }
0x51: {  	_ =	shalt  }
0x52: {  	_ =	shalt  }
0x53: {  	_ =	shalt  }
0x54: {  	_ =	shalt  }
0x55: {  	_ =	shalt  }
0x56: {  	_ =	shalt  }
0x57: {  	_ =	shalt  }
0x58: {  	_ =	shalt  }
0x59: {  	_ =	shalt  }
0x5a: {  	_ =	shalt  }
0x5b: {  	_ =	shalt  }
0x5c: {  	_ =	shalt  }
0x5d: {  	_ =	shalt  }
0x5e: {  	_ =	shalt  }
0x5f: {  	_ =	shalt  }
0x60: {  	_ =	shalt  }
0x61: {  	_ =	shalt  }
0x62: {  	_ =	shalt  }
0x63: {  	_ =	shalt  }
0x64: {  	_ =	shalt  }
0x65: {  	_ =	shalt  }
0x66: {  	_ =	shalt  }
0x67: {  	_ =	shalt  }
0x68: {  	_ =	shalt  }
0x69: {  	_ =	shalt  }
0x6a: {  	_ =	shalt  }
0x6b: {  	_ =	shalt  }
0x6c: {  	_ =	shalt  }
0x6d: {  	_ =	shalt  }
0x6e: {  	_ =	shalt  }
0x6f: {  	_ =	shalt  }
0x70: {  	_ =	shalt  }
0x71: {  	_ =	shalt  }
0x72: {  	_ =	shalt  }
0x73: {  	_ =	shalt  }
0x74: {  	_ =	shalt  }
0x75: {  	_ =	shalt  }
0x76: {  	_ =	shalt  }
0x77: {  	_ =	shalt  }
0x78: {  	_ =	shalt  }
0x79: {  	_ =	shalt  }
0x7a: {  	_ =	shalt  }
0x7b: {  	_ =	shalt  }
0x7c: {  	_ =	shalt  }
0x7d: {  	_ =	shalt  }
0x7e: {  	_ =	shalt  }
0x7f: {  	_ =	shalt  }
0x80: {  	_ =	shalt  }
0x81: {  	_ =	shalt  }
0x82: {  	_ =	shalt  }
0x83: {  	_ =	shalt  }
0x84: {  	_ =	shalt  }
0x85: {  	_ =	shalt  }
0x86: {  	_ =	shalt  }
0x87: {  	_ =	shalt  }
.Lfunc_end0:
.L_simem_size_0:
called_computation.1_lowered:
.L_overlay_start_0:
0x88: {  	s2 =	sld [smem:$0x3FD9]  }
0x89: {  	s3 =	sld [smem:$0x3FFE];
	_ =	sdelay $0x1  }
0x8a: {  	s1 =	srdreg.scid  }
0x8b: {  	s0 =	sand.u32 $0x1, s1  }
0x8c: {  	s16 =	sshll.u32 s0, $0xA;
	s2 =	sadd.s32 s3, s2  }
0x8d: {  	s2 =	sadd.s32 s2, s16  }
0x8e: {  	[smem:$0x3FB0] =	sst s2  }
0x8f: {  	_ = 	snop  }
0x90: {  	(tm) =	ssettm $0x1  }
0x91: {  	s17 =	sld [smem:$0x3FFB];
	_ =	sdelay $0x3  }
0x92: {  	_ =	strace s17  }
0x93: {  	s2 =	sld [smem:$0x3FFC];
	_ =	sdelay $0x3  }
0x94: {  	_ =	strace s2  }
0x95: {  	s2 =	sld [smem:$0x3FFD];
	_ =	sdelay $0x3  }
0x96: {  	_ =	strace s2  }
0x97: {  	_ =	strace $0x8FFFFFFF  }
0x98: {  	s18 =	sld [smem:$0x3FDB];
	_ =	sdelay $0x1  }
0x99: {  	s19 =	simm.s32 $_scs_section_size  }
0x9a: {  	s4 =	simm.s32 $_size__tile_overlayer_lowered;
	s5 =	simm.s32 $_tile_overlayer_lowered  }
0x9b: {  	s22 =	simm.s32 $0x1BFF;
	s21 =	sshll.u32 s5, $0x1;
	s2 =	sadd.s32 s19, s18  }
0x9c: {  	s6 =	simm.s32 $0x0;
	s20 =	sshll.u32 s4, $0x1;
	s4 =	sadd.s32 s21, s2  }
0x9d: {  	[timem:s6], [sflag:s22] =	dma.local [hbm:s4], s20  }
0x9e: {  	_ =	swait.ge [sflag:s22], s20  }
0x9f: {  	s3 =	ssub.s32 $0x0, s20;
	[sflag:s22] =	ssyncset.done $0x0  }
0xa0: {  	[sflag:s22] =	ssyncadd.s32 s3;
	_ =	sdelay $0x1  }
0xa1: {  	s23 =	simm.s32 $0x1B8B  }
0xa2: {  	_ =	swait.ge [sflag:s23], $0x1  }
0xa3: {  	[sflag:s23] =	ssyncset.done $0x0  }
0xa4: {  	s25 =	simm.s32 $0x1B8E;
	s24 =	sld [smem:$0x3FFE];
	[sflag:s23] =	ssyncadd.s32 $0xFFFFFFFF  }
0xa5: {  	s26 =	simm.s32 $execute0_lowered;
	[smem:$0x3FD2] =	sst s25  }
0xa6: {  	s4 =	sshll.u32 s26, $0x1;
	_ =	strace $0x80000049;
	[dreg:$0x1] =	wrdreg $0xFFFFFFFF  }
0xa7: {  	s28 =	simm.s32 $_size_execute0_lowered;
	s2 =	sadd.s32 s2, s4;
	[dreg:$0x0] =	wrdreg $0x0  }
0xa8: {  	s4 =	sshll.u32 s28, $0x1;
	[dreg:$0x2] =	wrdreg s2  }
0xa9: {  	[dreg:$0x3] =	wrdreg s4  }
0xaa: {  	[dreg:$0x4] =	wrdreg $0xC0  }
0xab: {  	_ =	task [dreg:s6], $0x5FFFF  }
0xac: {  	[dreg:$0x1] =	wrdreg $0xFFFFFFFF  }
0xad: {  	[dreg:$0x0] =	wrdreg $0x60  }
0xae: {  	[dreg:$0x2] =	wrdreg s24  }
0xaf: {  	[dreg:$0x3] =	wrdreg $0x9  }
0xb0: {  	_ =	task.clear_ibuf [dreg:s6], $0x4FFFF;
	_ =	strace $0x90000049  }
0xb1: {  	s29 =	simm.s32 $0x9;
	_ =	strace $0x8000004B  }
0xb2: {  	_ =	swait.ge [sflag:s29], $0x1  }
0xb3: {  	[sflag:s29] =	ssyncadd.s32 $0xFFFFFFFF  }
0xb4: {  	_ =	strace $0x9000004B  }
0xb5: {  	_ =	sfence  }
0xb6: {  	s30 =	sld [smem:$0x0];
	_ =	sdelay $0x2  }
0xb7: {  	s31 =	sshll.u32 s1, $0xD;
	s1 =	sshrl.u32 s1, $0x2  }
0xb8: {  	s3 =	sand.u32 $0x4000, s31;
	s1 =	sadd.s32 s1, s30  }
0xb9: {  	s0 =	sor.u32 s3, s0;
	s1 =	sshll.u32 s1, $0x11  }
0xba: {  	s0 =	sor.u32 s1, s0  }
0xbb: {  	s0 =	sadd.s32 $0x8F2B, s0  }
0xbc: {  	[sflag:s0] =	ssyncadd.remote.s32 $0x1  }
0xbd: {  	_ =	sfence.sel $0xFFFF  }
0xbe: {  	[dreg:$0x0] =	wrdreg $0xFFFFFFFF;
	(pc) =	sbr.abs _section_cstart, $3  }
0xbf: {  	[dreg:$0x1] =	wrdreg $0xFFFFFFFF  }
0xc0: {  	_ =	task.clear_ibuf [dreg:s6], $0x2FFFF;
	_ =	strace $0x9FFFFFFF  }
0xc1: {  	(tm) =	ssettm $0x7FFFFFFF  }
tec
execute0_lowered:
.L_overlay_start_1:
0x0: {  	(tag) =	ssettag $0x1  }
0x1: {  	s1 =	srdreg.scid;
	s0 =	stileid.u32  }
0x2: {  	s4 =	rddreg [dreg:$0x0];
	s2 =	simm.s32 $0x0;
	s10 =	simm.s32 $0x1  }
0x3: {  	s3 =	sand.u32 $0x1, s1;
	s5 =	smul.u32 $0x1400, s0;
	s1 =	rddreg [dreg:$0x1]  }
0x4: {  	s11 =	simm.s32 $0x0;
	[smem:$0x7FF] =	sst s2;
	s30 =	smul.u32 $0x14000, s0  }
0x5: {  	s6 =	smul.u32 $0xA00, s3;
	_ =	strace $0x8000004A;
	s7 =	ssub.s32 $0x2, s3  }
0x6: {  	s9 =	smul.u32 $0xA000, s3;
	s3 =	sadd.s32 $0x3000, s4;
	s8 =	sshrl.u32 s7, $0x1  }
0x7: {  	s5 =	sadd.s32 s6, s5;
	s6 =	sadd.s32 s30, s4;
	s31 =	ssub.s32 s7, s8  }
0x8: {  	s7 =	simm.s32 $0x2;
	s8 =	simm.s32 $0xA0;
	s5 =	sshrl.u32 s5, $0x3  }
0x9: {  	s6 =	sadd.s32 s9, s6;
	s9 =	simm.s32 $0x100;
	s5 =	sadd.s32 s5, s4  }
0xa: {  	s4 =	smax.u32 s31, $0x1;
	s6 =	sadd.s32 $0x15800, s6;
	s5 =	sadd.s32 $0x13000, s5  }
.LBB2_1:
0xb: {  	s12 =	sadd.s32 $0x0, s5  }
0xc: {  	[tilespmem:s2], [sflag:$0x2] =	stream.linear.gather [hbm4b:s12+s2], $0xA0, $0x38;
	[tilespmem:$0x5100] =	vst v63  }
0xd: {  	_ =	swait.ge [sflag:s7], $0xA0  }
0xe: {  	[sflag:s7] =	ssyncset.done $0x0  }
0xf: {  	[sflag:s7] =	ssyncadd.s32 $0xFFFFFF60  }
0x10: {  	[tilespmem:s9], [sflag:$0x1] =	stream.indirect.gather [hbm4b:s3+s8], $0x80, s2, s8, $0xb8;
	[tilespmem:$0x5100] =	vst v63  }
0x11: {  	_ =	swait.ge [sflag:s10], $0x5000  }
0x12: {  	[sflag:s10] =	ssyncset.done $0x0  }
0x13: {  	[sflag:s10] =	ssyncadd.s32 $0xFFFFB000  }
0x14: {  	[hbm4b:s6+s2] =	stream.linear.scatter [tilespmem:s9], [sflag:$0x2], $0x5000, $0x38;
	[tilespmem:$0x5100] =	vst v63  }
0x15: {  	s13 =	simm.s32 $0x14;
	_ =	swait.ge [sflag:s7], $0x5000  }
0x16: {  	s14 =	simm.s32 $0x28;
	s12 =	sadd.s32 $0xA00, s6;
	[sflag:s7] =	ssyncset.done $0x0  }
.LBB2_2:
0x17: {  	s15 =	sadd.s32 s13, s5  }
0x18: {  	[sflag:s7] =	ssyncadd.s32 $0xFFFFB000;
	s13 =	smov.u32 s14;
	s16 =	sadd.s32 $0x14, s14  }
0x19: {  	[tilespmem:s2], [sflag:$0x2] =	stream.linear.gather [hbm4b:s15+s2], $0xA0, $0x38;
	[tilespmem:$0x5100] =	vst v63  }
0x1a: {  	p0 =	sne.s32 s14, $0x12C;
	_ =	swait.ge [sflag:s7], $0xA0  }
0x1b: {  	[sflag:s7] =	ssyncset.done $0x0  }
0x1c: {  	[sflag:s7] =	ssyncadd.s32 $0xFFFFFF60  }
0x1d: {  	[tilespmem:s9], [sflag:$0x1] =	stream.indirect.gather [hbm4b:s3+s8], $0x80, s2, s8, $0xb8;
	[tilespmem:$0x5100] =	vst v63  }
0x1e: {  	_ =	swait.ge [sflag:s10], $0x5000  }
.Ltmp0:
0x1f: {  	[sflag:s10] =	ssyncset.done $0x0;
	(pc) =	sbr.rel @p0 .LBB2_2-.Ltmp0, $4  }
0x20: {  	[sflag:s10] =	ssyncadd.s32 $0xFFFFB000  }
0x21: {  	[hbm4b:s12+s2] =	stream.linear.scatter [tilespmem:s9], [sflag:$0x2], $0x5000, $0x38;
	[tilespmem:$0x5100] =	vst v63  }
0x22: {  	_ =	swait.ge [sflag:s7], $0x5000  }
0x23: {  	s14 =	smov.u32 s16;
	s12 =	sadd.s32 $0xA00, s12;
	[sflag:s7] =	ssyncset.done $0x0  }
0x24: {  	s13 =	sadd.s32 s13, s5;
	[sflag:s7] =	ssyncadd.s32 $0xFFFFB000  }
0x25: {  	[tilespmem:s2], [sflag:$0x2] =	stream.linear.gather [hbm4b:s13+s2], $0xA0, $0x38;
	[tilespmem:$0x5100] =	vst v63  }
0x26: {  	_ =	swait.ge [sflag:s7], $0xA0  }
0x27: {  	[sflag:s7] =	ssyncset.done $0x0  }
0x28: {  	[sflag:s7] =	ssyncadd.s32 $0xFFFFFF60  }
0x29: {  	[tilespmem:s9], [sflag:$0x1] =	stream.indirect.gather [hbm4b:s3+s8], $0x80, s2, s8, $0xb8;
	[tilespmem:$0x5100] =	vst v63  }
0x2a: {  	s11 =	sadd.s32 $0x1, s11;
	_ =	swait.ge [sflag:s10], $0x5000  }
0x2b: {  	p0 =	sne.s32 s11, s4;
	[sflag:s10] =	ssyncset.done $0x0  }
.Ltmp1:
0x2c: {  	[sflag:s10] =	ssyncadd.s32 $0xFFFFB000;
	(pc) =	sbr.rel @p0 .LBB2_1-.Ltmp1, $4  }
0x2d: {  	[hbm4b:s12+s2] =	stream.linear.scatter [tilespmem:s9], [sflag:$0x2], $0x5000, $0x38;
	[tilespmem:$0x5100] =	vst v63  }
0x2e: {  	_ =	swait.ge [sflag:s7], $0x5000  }
0x2f: {  	[sflag:s7] =	ssyncset.done $0x0  }
0x30: {  	[sflag:s7] =	ssyncadd.s32 $0xFFFFB000  }
0x31: {  	_ =	sfence.sel $0x180000  }
0x32: {  	[bflag:$0x0] =	sbarrier.arrive $0xFFFF  }
0x33: {  	p0 =	sne.s32 s0, $0x0;
	_ =	strace $0x9000004A  }
0x34: {  	s0 =	sadd.s32 @!p0 $0x100000, s1;
	[bflag:$0x2] =	sbarrier.arrive $0xFFFF  }
0x35: {  	[sflag:s0] =	ssyncadd.tile.s32 @!p0 $0x1;
	_ =	shalt  }
.Lfunc_end2:
_tile_overlayer_lowered:
.L_overlay_start_2:
0x36: {  	(tag) =	ssettag $0x2  }
0x37: {  	s0 =	rddreg [dreg:$0x0];
	s2 =	stileid.u32  }
0x38: {  	s1 =	rddreg [dreg:$0x1];
	p0 =	sne.s32 s2, $0x0  }
0x39: {  	s3 =	rddreg [dreg:$0x2];
	[bflag:$0x3] =	sbarrier.arrive $0xFFFF;
	s2 =	simm.s32 @!p0 $0x1C02  }
0x3a: {  	[timem:s3], [sflag:s2] =	dma.local @!p0 [hbm:s0], s1  }
0x3b: {  	s0 =	simm.s32 @!p0 $0x2  }
0x3c: {  	_ =	swait.ge @!p0 [sflag:s0], s1  }
0x3d: {  	s1 =	ssub.s32 @!p0 $0x0, s1;
	[sflag:s0] =	ssyncset.done @!p0 $0x0  }
0x3e: {  	[sflag:s0] =	ssyncadd.s32 @!p0 s1  }
0x3f: {  	[bflag:$0x3] =	sbarrier.arrive $0xFFFF  }
0x40: {  	_ =	shalt  }

// kernel: kernel.25.cloned.1.call-start
scs
__scs_entry_jumppad:
0x0: {  	(pc) =	sbr.rel $0x88, $3  }
0x1: {  	(tag) =	ssettag $0x0;
	lr =	simm.s32 $0x1  }
0x2: {  	[smem:$0x3F89] =	sst lr;
	_ =	strace $0xD0000000  }
0x3: {  	_ = 	snop  }
0x4: {  	_ = 	snop  }
0x5: {  	_ = 	snop  }
0x6: {  	_ = 	snop  }
0x7: {  	_ = 	snop  }
__scs_overlays_trampoline_lowered:
0x8: {  	[smem:$0x3F98] =	sst s0  }
0x9: {  	[smem:$0x3F99] =	sst s1  }
0xa: {  	[smem:$0x3F9A] =	sst s2  }
0xb: {  	[smem:$0x3F9B] =	sst s3  }
0xc: {  	[smem:$0x3F9C] =	sst s4  }
0xd: {  	[smem:$0x3F9D] =	sst s5  }
0xe: {  	[smem:$0x3F9E] =	sst s6  }
0xf: {  	[smem:$0x3F9F] =	sst s7  }
0x10: {  	[smem:$0x3FA0] =	sst s8  }
0x11: {  	[smem:$0x3FA1] =	sst s9;
	s0 =	simm.s32 @!p0 $0x0  }
0x12: {  	s1 =	sld [smem:$0x3F87];
	s0 =	simm.s32 @p0 $0x1  }
0x13: {  	[smem:$0x3FA2] =	sst s0;
	s0 =	simm.s32 @!p1 $0x0  }
0x14: {  	s2 =	sld [smem:$0x3F86];
	s0 =	simm.s32 @p1 $0x1  }
0x15: {  	[smem:$0x3FA3] =	sst s0;
	s0 =	simm.s32 @!p2 $0x0  }
0x16: {  	s3 =	sld [smem:$0x3FDB];
	s0 =	simm.s32 @p2 $0x1  }
0x17: {  	s4 =	simm.s32 $0x1BF5;
	[smem:$0x3FA5] =	sst s0  }
0x18: {  	s0 =	sld [smem:$0x3F88];
	_ =	swait.ge [sflag:s4], $0x0  }
0x19: {  	s7 =	sld [smem:$0x3F89]  }
0x1a: {  	s8 =	sadd.s32 $0xFFFFE003, lr  }
0x1b: {  	s9 =	sadd.s32 $0xFFFFFEF7, lr;
	s5 =	simm.s32 $0xFFFFFFFF;
	p2 =	slt.u32 s8, $0xFFFFF086  }
0x1c: {  	p1 =	slt.u32 s9, $0xF7A;
	s5 =	simm.s32 @!p2 $0x0  }
0x1d: {  	s5 =	simm.s32 @p1 $0x1;
	p0 =	seq.s32 s7, s2  }
0x1e: {  	s7 =	smul.u32 @!p0 $0xF7A, s2;
	p2 =	seq.s32 @!p0 s5, $0x0  }
0x1f: {  	s9 =	smul.u32 $0xF7A, s1;
	s8 =	simm.s32 @!p0 $0x1BF5;
	p2 =	por !p2, p0  }
0x20: {  	[sflag:s8] =	ssyncset.s32 @!p0 $0xFFFFF086;
	s6 =	sadd.s32 @!p0 s3, s7;
	s7 =	simm.s32 @!p0 $0x108  }
0x21: {  	s3 =	sadd.s32 s3, s9;
	s6 =	sadd.s32 @!p0 $0x88, s6;
	s7 =	simm.s32 @p2 $0x1082  }
0x22: {  	[simem:s7], [sflag:s8] =	dma.local @!p0 [hbm:s6], $0xF7A  }
0x23: {  	s9 =	sor.u32 $0xD0000000, s2;
	s6 =	simm.s32 $0x108;
	_ =	swait.ge @!p0 [sflag:s8], $0x0  }
0x24: {  	s3 =	sadd.s32 $0x88, s3;
	s6 =	simm.s32 @!p1 $0x1082;
	[sflag:s4] =	ssyncset.s32 $0xFFFFF086  }
0x25: {  	[simem:s6], [sflag:s4] =	dma.local [hbm:s3], $0xF7A  }
0x26: {  	[smem:$0x3F89] =	sst s1;
	(tag) =	ssettag s2;
	_ =	strace s9  }
0x27: {  	s1 =	sld [smem:$0x3F99]  }
0x28: {  	s2 =	sld [smem:$0x3F9A]  }
0x29: {  	s4 =	sld [smem:$0x3F9C]  }
0x2a: {  	p0 =	seq.s32 s5, $0x0;
	s5 =	sld [smem:$0x3F9D]  }
0x2b: {  	s6 =	sld [smem:$0x3F9E]  }
0x2c: {  	s7 =	sld [smem:$0x3F9F]  }
0x2d: {  	s3 =	simm.s32 $0x108;
	s8 =	sld [smem:$0x3FA0]  }
0x2e: {  	s3 =	simm.s32 @!p0 $0x1082;
	s9 =	sld [smem:$0x3FA1]  }
0x2f: {  	lr =	sadd.s32 s0, s3;
	s0 =	sld [smem:$0x3F98]  }
0x30: {  	s3 =	sld [smem:$0x3F9B]  }
0x31: {  	[smem:$0x3FA4] =	sst s10  }
0x32: {  	s10 =	sld [smem:$0x3FA2];
	_ =	sdelay $0x3  }
0x33: {  	p0 =	seq.s32 s10, $0x1;
	s10 =	sld [smem:$0x3FA4];
	_ =	sdelay $0x3  }
0x34: {  	[smem:$0x3FA4] =	sst s10  }
0x35: {  	s10 =	sld [smem:$0x3FA3];
	_ =	sdelay $0x3  }
0x36: {  	p1 =	seq.s32 s10, $0x1;
	s10 =	sld [smem:$0x3FA4];
	_ =	sdelay $0x3  }
0x37: {  	[smem:$0x3FA4] =	sst s10  }
0x38: {  	s10 =	sld [smem:$0x3FA5]  }
0x39: {  	_ = 	snop;
	(pc) =	sbr.ind lr, $3  }
0x3a: {  	_ = 	snop  }
0x3b: {  	_ = 	snop  }
0x3c: {  	p2 =	seq.s32 s10, $0x1;
	s10 =	sld [smem:$0x3FA4]  }
0x3d: {  	_ =	shalt  }
0x3e: {  	_ =	shalt  }
0x3f: {  	_ =	shalt  }
0x40: {  	_ =	shalt  }
0x41: {  	_ =	shalt  }
0x42: {  	_ =	shalt  }
0x43: {  	_ =	shalt  }
0x44: {  	_ =	shalt  }
0x45: {  	_ =	shalt  }
0x46: {  	_ =	shalt  }
0x47: {  	_ =	shalt  }
0x48: {  	_ =	shalt  }
0x49: {  	_ =	shalt  }
0x4a: {  	_ =	shalt  }
0x4b: {  	_ =	shalt  }
0x4c: {  	_ =	shalt  }
0x4d: {  	_ =	shalt  }
0x4e: {  	_ =	shalt  }
0x4f: {  	_ =	shalt  }
0x50: {  	_ =	shalt  }
0x51: {  	_ =	shalt  }
0x52: {  	_ =	shalt  }
0x53: {  	_ =	shalt  }
0x54: {  	_ =	shalt  }
0x55: {  	_ =	shalt  }
0x56: {  	_ =	shalt  }
0x57: {  	_ =	shalt  }
0x58: {  	_ =	shalt  }
0x59: {  	_ =	shalt  }
0x5a: {  	_ =	shalt  }
0x5b: {  	_ =	shalt  }
0x5c: {  	_ =	shalt  }
0x5d: {  	_ =	shalt  }
0x5e: {  	_ =	shalt  }
0x5f: {  	_ =	shalt  }
0x60: {  	_ =	shalt  }
0x61: {  	_ =	shalt  }
0x62: {  	_ =	shalt  }
0x63: {  	_ =	shalt  }
0x64: {  	_ =	shalt  }
0x65: {  	_ =	shalt  }
0x66: {  	_ =	shalt  }
0x67: {  	_ =	shalt  }
0x68: {  	_ =	shalt  }
0x69: {  	_ =	shalt  }
0x6a: {  	_ =	shalt  }
0x6b: {  	_ =	shalt  }
0x6c: {  	_ =	shalt  }
0x6d: {  	_ =	shalt  }
0x6e: {  	_ =	shalt  }
0x6f: {  	_ =	shalt  }
0x70: {  	_ =	shalt  }
0x71: {  	_ =	shalt  }
0x72: {  	_ =	shalt  }
0x73: {  	_ =	shalt  }
0x74: {  	_ =	shalt  }
0x75: {  	_ =	shalt  }
0x76: {  	_ =	shalt  }
0x77: {  	_ =	shalt  }
0x78: {  	_ =	shalt  }
0x79: {  	_ =	shalt  }
0x7a: {  	_ =	shalt  }
0x7b: {  	_ =	shalt  }
0x7c: {  	_ =	shalt  }
0x7d: {  	_ =	shalt  }
0x7e: {  	_ =	shalt  }
0x7f: {  	_ =	shalt  }
0x80: {  	_ =	shalt  }
0x81: {  	_ =	shalt  }
0x82: {  	_ =	shalt  }
0x83: {  	_ =	shalt  }
0x84: {  	_ =	shalt  }
0x85: {  	_ =	shalt  }
0x86: {  	_ =	shalt  }
0x87: {  	_ =	shalt  }
.Lfunc_end0:
.L_simem_size_0:
called_computation.2_lowered:
.L_overlay_start_0:
0x88: {  	s2 =	sld [smem:$0x3FD9]  }
0x89: {  	s3 =	sld [smem:$0x3FFE];
	_ =	sdelay $0x1  }
0x8a: {  	s1 =	srdreg.scid  }
0x8b: {  	s0 =	sand.u32 $0x1, s1  }
0x8c: {  	s16 =	sshll.u32 s0, $0xA;
	s2 =	sadd.s32 s3, s2  }
0x8d: {  	s2 =	sadd.s32 s2, s16  }
0x8e: {  	[smem:$0x3FB0] =	sst s2  }
0x8f: {  	_ = 	snop  }
0x90: {  	(tm) =	ssettm $0x1  }
0x91: {  	s17 =	sld [smem:$0x3FFB];
	_ =	sdelay $0x3  }
0x92: {  	_ =	strace s17  }
0x93: {  	s2 =	sld [smem:$0x3FFC];
	_ =	sdelay $0x3  }
0x94: {  	_ =	strace s2  }
0x95: {  	s2 =	sld [smem:$0x3FFD];
	_ =	sdelay $0x3  }
0x96: {  	_ =	strace s2  }
0x97: {  	_ =	strace $0x8FFFFFFF  }
0x98: {  	s18 =	sld [smem:$0x3FDB];
	_ =	sdelay $0x1  }
0x99: {  	s19 =	simm.s32 $_scs_section_size  }
0x9a: {  	s4 =	simm.s32 $_size__tile_overlayer_lowered;
	s5 =	simm.s32 $_tile_overlayer_lowered  }
0x9b: {  	s22 =	simm.s32 $0x1BFF;
	s21 =	sshll.u32 s5, $0x1;
	s2 =	sadd.s32 s19, s18  }
0x9c: {  	s6 =	simm.s32 $0x0;
	s20 =	sshll.u32 s4, $0x1;
	s4 =	sadd.s32 s21, s2  }
0x9d: {  	[timem:s6], [sflag:s22] =	dma.local [hbm:s4], s20  }
0x9e: {  	_ =	swait.ge [sflag:s22], s20  }
0x9f: {  	s3 =	ssub.s32 $0x0, s20;
	[sflag:s22] =	ssyncset.done $0x0  }
0xa0: {  	[sflag:s22] =	ssyncadd.s32 s3;
	_ =	sdelay $0x1  }
0xa1: {  	s23 =	simm.s32 $0x1B8B  }
0xa2: {  	_ =	swait.ge [sflag:s23], $0x1  }
0xa3: {  	[sflag:s23] =	ssyncset.done $0x0  }
0xa4: {  	s25 =	simm.s32 $0x1B8E;
	s24 =	sld [smem:$0x3FFE];
	[sflag:s23] =	ssyncadd.s32 $0xFFFFFFFF  }
0xa5: {  	s26 =	simm.s32 $execute0_lowered;
	[smem:$0x3FD2] =	sst s25  }
0xa6: {  	s4 =	sshll.u32 s26, $0x1;
	_ =	strace $0x8000004C;
	[dreg:$0x1] =	wrdreg $0xFFFFFFFF  }
0xa7: {  	s28 =	simm.s32 $_size_execute0_lowered;
	s2 =	sadd.s32 s2, s4;
	[dreg:$0x0] =	wrdreg $0x0  }
0xa8: {  	s4 =	sshll.u32 s28, $0x1;
	[dreg:$0x2] =	wrdreg s2  }
0xa9: {  	[dreg:$0x3] =	wrdreg s4  }
0xaa: {  	[dreg:$0x4] =	wrdreg $0xC0  }
0xab: {  	_ =	task [dreg:s6], $0x5FFFF  }
0xac: {  	[dreg:$0x1] =	wrdreg $0xFFFFFFFF  }
0xad: {  	[dreg:$0x0] =	wrdreg $0x60  }
0xae: {  	[dreg:$0x2] =	wrdreg s24  }
0xaf: {  	[dreg:$0x3] =	wrdreg $0x9  }
0xb0: {  	_ =	task.clear_ibuf [dreg:s6], $0x4FFFF;
	_ =	strace $0x9000004C  }
0xb1: {  	s29 =	simm.s32 $0x9;
	_ =	strace $0x8000004E  }
0xb2: {  	_ =	swait.ge [sflag:s29], $0x1  }
0xb3: {  	[sflag:s29] =	ssyncadd.s32 $0xFFFFFFFF  }
0xb4: {  	_ =	strace $0x9000004E  }
0xb5: {  	_ =	sfence  }
0xb6: {  	s30 =	sld [smem:$0x0];
	_ =	sdelay $0x2  }
0xb7: {  	s31 =	sshll.u32 s1, $0xD;
	s1 =	sshrl.u32 s1, $0x2  }
0xb8: {  	s3 =	sand.u32 $0x4000, s31;
	s1 =	sadd.s32 s1, s30  }
0xb9: {  	s0 =	sor.u32 s3, s0;
	s1 =	sshll.u32 s1, $0x11  }
0xba: {  	s0 =	sor.u32 s1, s0  }
0xbb: {  	s0 =	sadd.s32 $0x8F2B, s0  }
0xbc: {  	[sflag:s0] =	ssyncadd.remote.s32 $0x1  }
0xbd: {  	_ =	sfence.sel $0xFFFF  }
0xbe: {  	[dreg:$0x0] =	wrdreg $0xFFFFFFFF;
	(pc) =	sbr.abs _section_cstart, $3  }
0xbf: {  	[dreg:$0x1] =	wrdreg $0xFFFFFFFF  }
0xc0: {  	_ =	task.clear_ibuf [dreg:s6], $0x2FFFF;
	_ =	strace $0x9FFFFFFF  }
0xc1: {  	(tm) =	ssettm $0x7FFFFFFF  }
tec
execute0_lowered:
.L_overlay_start_1:
0x0: {  	(tag) =	ssettag $0x1  }
0x1: {  	s1 =	srdreg.scid;
	s0 =	stileid.u32  }
0x2: {  	s4 =	rddreg [dreg:$0x0];
	s2 =	simm.s32 $0x0;
	s10 =	simm.s32 $0x1  }
0x3: {  	s3 =	sand.u32 $0x1, s1;
	s5 =	smul.u32 $0x1400, s0;
	s1 =	rddreg [dreg:$0x1]  }
0x4: {  	s11 =	simm.s32 $0x0;
	[smem:$0x7FF] =	sst s2;
	s30 =	smul.u32 $0x14000, s0  }
0x5: {  	s6 =	smul.u32 $0xA00, s3;
	_ =	strace $0x8000004D;
	s7 =	ssub.s32 $0x2, s3  }
0x6: {  	s9 =	smul.u32 $0xA000, s3;
	s3 =	sadd.s32 $0x13000, s4;
	s8 =	sshrl.u32 s7, $0x1  }
0x7: {  	s5 =	sadd.s32 s6, s5;
	s6 =	sadd.s32 s30, s4;
	s31 =	ssub.s32 s7, s8  }
0x8: {  	s7 =	simm.s32 $0x2;
	s8 =	simm.s32 $0xA0;
	s5 =	sshrl.u32 s5, $0x3  }
0x9: {  	s6 =	sadd.s32 s9, s6;
	s9 =	simm.s32 $0x100;
	s5 =	sadd.s32 s5, s4  }
0xa: {  	s4 =	smax.u32 s31, $0x1;
	s6 =	sadd.s32 $0x25800, s6;
	s5 =	sadd.s32 $0x23000, s5  }
.LBB2_1:
0xb: {  	s12 =	sadd.s32 $0x0, s5  }
0xc: {  	[tilespmem:s2], [sflag:$0x2] =	stream.linear.gather [hbm4b:s12+s2], $0xA0, $0x38;
	[tilespmem:$0x5100] =	vst v63  }
0xd: {  	_ =	swait.ge [sflag:s7], $0xA0  }
0xe: {  	[sflag:s7] =	ssyncset.done $0x0  }
0xf: {  	[sflag:s7] =	ssyncadd.s32 $0xFFFFFF60  }
0x10: {  	[tilespmem:s9], [sflag:$0x1] =	stream.indirect.gather [hbm4b:s3+s8], $0x80, s2, s8, $0xb8;
	[tilespmem:$0x5100] =	vst v63  }
0x11: {  	_ =	swait.ge [sflag:s10], $0x5000  }
0x12: {  	[sflag:s10] =	ssyncset.done $0x0  }
0x13: {  	[sflag:s10] =	ssyncadd.s32 $0xFFFFB000  }
0x14: {  	[hbm4b:s6+s2] =	stream.linear.scatter [tilespmem:s9], [sflag:$0x2], $0x5000, $0x38;
	[tilespmem:$0x5100] =	vst v63  }
0x15: {  	s13 =	simm.s32 $0x14;
	_ =	swait.ge [sflag:s7], $0x5000  }
0x16: {  	s14 =	simm.s32 $0x28;
	s12 =	sadd.s32 $0xA00, s6;
	[sflag:s7] =	ssyncset.done $0x0  }
.LBB2_2:
0x17: {  	s15 =	sadd.s32 s13, s5  }
0x18: {  	[sflag:s7] =	ssyncadd.s32 $0xFFFFB000;
	s13 =	smov.u32 s14;
	s16 =	sadd.s32 $0x14, s14  }
0x19: {  	[tilespmem:s2], [sflag:$0x2] =	stream.linear.gather [hbm4b:s15+s2], $0xA0, $0x38;
	[tilespmem:$0x5100] =	vst v63  }
0x1a: {  	p0 =	sne.s32 s14, $0x12C;
	_ =	swait.ge [sflag:s7], $0xA0  }
0x1b: {  	[sflag:s7] =	ssyncset.done $0x0  }
0x1c: {  	[sflag:s7] =	ssyncadd.s32 $0xFFFFFF60  }
0x1d: {  	[tilespmem:s9], [sflag:$0x1] =	stream.indirect.gather [hbm4b:s3+s8], $0x80, s2, s8, $0xb8;
	[tilespmem:$0x5100] =	vst v63  }
0x1e: {  	_ =	swait.ge [sflag:s10], $0x5000  }
.Ltmp0:
0x1f: {  	[sflag:s10] =	ssyncset.done $0x0;
	(pc) =	sbr.rel @p0 .LBB2_2-.Ltmp0, $4  }
0x20: {  	[sflag:s10] =	ssyncadd.s32 $0xFFFFB000  }
0x21: {  	[hbm4b:s12+s2] =	stream.linear.scatter [tilespmem:s9], [sflag:$0x2], $0x5000, $0x38;
	[tilespmem:$0x5100] =	vst v63  }
0x22: {  	_ =	swait.ge [sflag:s7], $0x5000  }
0x23: {  	s14 =	smov.u32 s16;
	s12 =	sadd.s32 $0xA00, s12;
	[sflag:s7] =	ssyncset.done $0x0  }
0x24: {  	s13 =	sadd.s32 s13, s5;
	[sflag:s7] =	ssyncadd.s32 $0xFFFFB000  }
0x25: {  	[tilespmem:s2], [sflag:$0x2] =	stream.linear.gather [hbm4b:s13+s2], $0xA0, $0x38;
	[tilespmem:$0x5100] =	vst v63  }
0x26: {  	_ =	swait.ge [sflag:s7], $0xA0  }
0x27: {  	[sflag:s7] =	ssyncset.done $0x0  }
0x28: {  	[sflag:s7] =	ssyncadd.s32 $0xFFFFFF60  }
0x29: {  	[tilespmem:s9], [sflag:$0x1] =	stream.indirect.gather [hbm4b:s3+s8], $0x80, s2, s8, $0xb8;
	[tilespmem:$0x5100] =	vst v63  }
0x2a: {  	s11 =	sadd.s32 $0x1, s11;
	_ =	swait.ge [sflag:s10], $0x5000  }
0x2b: {  	p0 =	sne.s32 s11, s4;
	[sflag:s10] =	ssyncset.done $0x0  }
.Ltmp1:
0x2c: {  	[sflag:s10] =	ssyncadd.s32 $0xFFFFB000;
	(pc) =	sbr.rel @p0 .LBB2_1-.Ltmp1, $4  }
0x2d: {  	[hbm4b:s12+s2] =	stream.linear.scatter [tilespmem:s9], [sflag:$0x2], $0x5000, $0x38;
	[tilespmem:$0x5100] =	vst v63  }
0x2e: {  	_ =	swait.ge [sflag:s7], $0x5000  }
0x2f: {  	[sflag:s7] =	ssyncset.done $0x0  }
0x30: {  	[sflag:s7] =	ssyncadd.s32 $0xFFFFB000  }
0x31: {  	_ =	sfence.sel $0x180000  }
0x32: {  	[bflag:$0x0] =	sbarrier.arrive $0xFFFF  }
0x33: {  	p0 =	sne.s32 s0, $0x0;
	_ =	strace $0x9000004D  }
0x34: {  	s0 =	sadd.s32 @!p0 $0x100000, s1;
	[bflag:$0x2] =	sbarrier.arrive $0xFFFF  }
0x35: {  	[sflag:s0] =	ssyncadd.tile.s32 @!p0 $0x1;
	_ =	shalt  }
.Lfunc_end2:
_tile_overlayer_lowered:
.L_overlay_start_2:
0x36: {  	(tag) =	ssettag $0x2  }
0x37: {  	s0 =	rddreg [dreg:$0x0];
	s2 =	stileid.u32  }
0x38: {  	s1 =	rddreg [dreg:$0x1];
	p0 =	sne.s32 s2, $0x0  }
0x39: {  	s3 =	rddreg [dreg:$0x2];
	[bflag:$0x3] =	sbarrier.arrive $0xFFFF;
	s2 =	simm.s32 @!p0 $0x1C02  }
0x3a: {  	[timem:s3], [sflag:s2] =	dma.local @!p0 [hbm:s0], s1  }
0x3b: {  	s0 =	simm.s32 @!p0 $0x2  }
0x3c: {  	_ =	swait.ge @!p0 [sflag:s0], s1  }
0x3d: {  	s1 =	ssub.s32 @!p0 $0x0, s1;
	[sflag:s0] =	ssyncset.done @!p0 $0x0  }
0x3e: {  	[sflag:s0] =	ssyncadd.s32 @!p0 s1  }
0x3f: {  	[bflag:$0x3] =	sbarrier.arrive $0xFFFF  }
0x40: {  	_ =	shalt  }

// kernel: kernel.28.cloned.1.call-start
scs
__scs_entry_jumppad:
0x0: {  	(pc) =	sbr.rel $0x88, $3  }
0x1: {  	(tag) =	ssettag $0x0;
	lr =	simm.s32 $0x1  }
0x2: {  	[smem:$0x3F89] =	sst lr;
	_ =	strace $0xD0000000  }
0x3: {  	_ = 	snop  }
0x4: {  	_ = 	snop  }
0x5: {  	_ = 	snop  }
0x6: {  	_ = 	snop  }
0x7: {  	_ = 	snop  }
__scs_overlays_trampoline_lowered:
0x8: {  	[smem:$0x3F98] =	sst s0  }
0x9: {  	[smem:$0x3F99] =	sst s1  }
0xa: {  	[smem:$0x3F9A] =	sst s2  }
0xb: {  	[smem:$0x3F9B] =	sst s3  }
0xc: {  	[smem:$0x3F9C] =	sst s4  }
0xd: {  	[smem:$0x3F9D] =	sst s5  }
0xe: {  	[smem:$0x3F9E] =	sst s6  }
0xf: {  	[smem:$0x3F9F] =	sst s7  }
0x10: {  	[smem:$0x3FA0] =	sst s8  }
0x11: {  	[smem:$0x3FA1] =	sst s9;
	s0 =	simm.s32 @!p0 $0x0  }
0x12: {  	s1 =	sld [smem:$0x3F87];
	s0 =	simm.s32 @p0 $0x1  }
0x13: {  	[smem:$0x3FA2] =	sst s0;
	s0 =	simm.s32 @!p1 $0x0  }
0x14: {  	s2 =	sld [smem:$0x3F86];
	s0 =	simm.s32 @p1 $0x1  }
0x15: {  	[smem:$0x3FA3] =	sst s0;
	s0 =	simm.s32 @!p2 $0x0  }
0x16: {  	s3 =	sld [smem:$0x3FDB];
	s0 =	simm.s32 @p2 $0x1  }
0x17: {  	s4 =	simm.s32 $0x1BF5;
	[smem:$0x3FA5] =	sst s0  }
0x18: {  	s0 =	sld [smem:$0x3F88];
	_ =	swait.ge [sflag:s4], $0x0  }
0x19: {  	s7 =	sld [smem:$0x3F89]  }
0x1a: {  	s8 =	sadd.s32 $0xFFFFE003, lr  }
0x1b: {  	s9 =	sadd.s32 $0xFFFFFEF7, lr;
	s5 =	simm.s32 $0xFFFFFFFF;
	p2 =	slt.u32 s8, $0xFFFFF086  }
0x1c: {  	p1 =	slt.u32 s9, $0xF7A;
	s5 =	simm.s32 @!p2 $0x0  }
0x1d: {  	s5 =	simm.s32 @p1 $0x1;
	p0 =	seq.s32 s7, s2  }
0x1e: {  	s7 =	smul.u32 @!p0 $0xF7A, s2;
	p2 =	seq.s32 @!p0 s5, $0x0  }
0x1f: {  	s9 =	smul.u32 $0xF7A, s1;
	s8 =	simm.s32 @!p0 $0x1BF5;
	p2 =	por !p2, p0  }
0x20: {  	[sflag:s8] =	ssyncset.s32 @!p0 $0xFFFFF086;
	s6 =	sadd.s32 @!p0 s3, s7;
	s7 =	simm.s32 @!p0 $0x108  }
0x21: {  	s3 =	sadd.s32 s3, s9;
	s6 =	sadd.s32 @!p0 $0x88, s6;
	s7 =	simm.s32 @p2 $0x1082  }
0x22: {  	[simem:s7], [sflag:s8] =	dma.local @!p0 [hbm:s6], $0xF7A  }
0x23: {  	s9 =	sor.u32 $0xD0000000, s2;
	s6 =	simm.s32 $0x108;
	_ =	swait.ge @!p0 [sflag:s8], $0x0  }
0x24: {  	s3 =	sadd.s32 $0x88, s3;
	s6 =	simm.s32 @!p1 $0x1082;
	[sflag:s4] =	ssyncset.s32 $0xFFFFF086  }
0x25: {  	[simem:s6], [sflag:s4] =	dma.local [hbm:s3], $0xF7A  }
0x26: {  	[smem:$0x3F89] =	sst s1;
	(tag) =	ssettag s2;
	_ =	strace s9  }
0x27: {  	s1 =	sld [smem:$0x3F99]  }
0x28: {  	s2 =	sld [smem:$0x3F9A]  }
0x29: {  	s4 =	sld [smem:$0x3F9C]  }
0x2a: {  	p0 =	seq.s32 s5, $0x0;
	s5 =	sld [smem:$0x3F9D]  }
0x2b: {  	s6 =	sld [smem:$0x3F9E]  }
0x2c: {  	s7 =	sld [smem:$0x3F9F]  }
0x2d: {  	s3 =	simm.s32 $0x108;
	s8 =	sld [smem:$0x3FA0]  }
0x2e: {  	s3 =	simm.s32 @!p0 $0x1082;
	s9 =	sld [smem:$0x3FA1]  }
0x2f: {  	lr =	sadd.s32 s0, s3;
	s0 =	sld [smem:$0x3F98]  }
0x30: {  	s3 =	sld [smem:$0x3F9B]  }
0x31: {  	[smem:$0x3FA4] =	sst s10  }
0x32: {  	s10 =	sld [smem:$0x3FA2];
	_ =	sdelay $0x3  }
0x33: {  	p0 =	seq.s32 s10, $0x1;
	s10 =	sld [smem:$0x3FA4];
	_ =	sdelay $0x3  }
0x34: {  	[smem:$0x3FA4] =	sst s10  }
0x35: {  	s10 =	sld [smem:$0x3FA3];
	_ =	sdelay $0x3  }
0x36: {  	p1 =	seq.s32 s10, $0x1;
	s10 =	sld [smem:$0x3FA4];
	_ =	sdelay $0x3  }
0x37: {  	[smem:$0x3FA4] =	sst s10  }
0x38: {  	s10 =	sld [smem:$0x3FA5]  }
0x39: {  	_ = 	snop;
	(pc) =	sbr.ind lr, $3  }
0x3a: {  	_ = 	snop  }
0x3b: {  	_ = 	snop  }
0x3c: {  	p2 =	seq.s32 s10, $0x1;
	s10 =	sld [smem:$0x3FA4]  }
0x3d: {  	_ =	shalt  }
0x3e: {  	_ =	shalt  }
0x3f: {  	_ =	shalt  }
0x40: {  	_ =	shalt  }
0x41: {  	_ =	shalt  }
0x42: {  	_ =	shalt  }
0x43: {  	_ =	shalt  }
0x44: {  	_ =	shalt  }
0x45: {  	_ =	shalt  }
0x46: {  	_ =	shalt  }
0x47: {  	_ =	shalt  }
0x48: {  	_ =	shalt  }
0x49: {  	_ =	shalt  }
0x4a: {  	_ =	shalt  }
0x4b: {  	_ =	shalt  }
0x4c: {  	_ =	shalt  }
0x4d: {  	_ =	shalt  }
0x4e: {  	_ =	shalt  }
0x4f: {  	_ =	shalt  }
0x50: {  	_ =	shalt  }
0x51: {  	_ =	shalt  }
0x52: {  	_ =	shalt  }
0x53: {  	_ =	shalt  }
0x54: {  	_ =	shalt  }
0x55: {  	_ =	shalt  }
0x56: {  	_ =	shalt  }
0x57: {  	_ =	shalt  }
0x58: {  	_ =	shalt  }
0x59: {  	_ =	shalt  }
0x5a: {  	_ =	shalt  }
0x5b: {  	_ =	shalt  }
0x5c: {  	_ =	shalt  }
0x5d: {  	_ =	shalt  }
0x5e: {  	_ =	shalt  }
0x5f: {  	_ =	shalt  }
0x60: {  	_ =	shalt  }
0x61: {  	_ =	shalt  }
0x62: {  	_ =	shalt  }
0x63: {  	_ =	shalt  }
0x64: {  	_ =	shalt  }
0x65: {  	_ =	shalt  }
0x66: {  	_ =	shalt  }
0x67: {  	_ =	shalt  }
0x68: {  	_ =	shalt  }
0x69: {  	_ =	shalt  }
0x6a: {  	_ =	shalt  }
0x6b: {  	_ =	shalt  }
0x6c: {  	_ =	shalt  }
0x6d: {  	_ =	shalt  }
0x6e: {  	_ =	shalt  }
0x6f: {  	_ =	shalt  }
0x70: {  	_ =	shalt  }
0x71: {  	_ =	shalt  }
0x72: {  	_ =	shalt  }
0x73: {  	_ =	shalt  }
0x74: {  	_ =	shalt  }
0x75: {  	_ =	shalt  }
0x76: {  	_ =	shalt  }
0x77: {  	_ =	shalt  }
0x78: {  	_ =	shalt  }
0x79: {  	_ =	shalt  }
0x7a: {  	_ =	shalt  }
0x7b: {  	_ =	shalt  }
0x7c: {  	_ =	shalt  }
0x7d: {  	_ =	shalt  }
0x7e: {  	_ =	shalt  }
0x7f: {  	_ =	shalt  }
0x80: {  	_ =	shalt  }
0x81: {  	_ =	shalt  }
0x82: {  	_ =	shalt  }
0x83: {  	_ =	shalt  }
0x84: {  	_ =	shalt  }
0x85: {  	_ =	shalt  }
0x86: {  	_ =	shalt  }
0x87: {  	_ =	shalt  }
.Lfunc_end0:
.L_simem_size_0:
called_computation.3_lowered:
.L_overlay_start_0:
0x88: {  	s2 =	sld [smem:$0x3FD9]  }
0x89: {  	s3 =	sld [smem:$0x3FFE];
	_ =	sdelay $0x1  }
0x8a: {  	s1 =	srdreg.scid  }
0x8b: {  	s0 =	sand.u32 $0x1, s1  }
0x8c: {  	s16 =	sshll.u32 s0, $0xA;
	s2 =	sadd.s32 s3, s2  }
0x8d: {  	s2 =	sadd.s32 s2, s16  }
0x8e: {  	[smem:$0x3FB0] =	sst s2  }
0x8f: {  	_ = 	snop  }
0x90: {  	(tm) =	ssettm $0x1  }
0x91: {  	s17 =	sld [smem:$0x3FFB];
	_ =	sdelay $0x3  }
0x92: {  	_ =	strace s17  }
0x93: {  	s2 =	sld [smem:$0x3FFC];
	_ =	sdelay $0x3  }
0x94: {  	_ =	strace s2  }
0x95: {  	s2 =	sld [smem:$0x3FFD];
	_ =	sdelay $0x3  }
0x96: {  	_ =	strace s2  }
0x97: {  	_ =	strace $0x8FFFFFFF  }
0x98: {  	s18 =	sld [smem:$0x3FDB];
	_ =	sdelay $0x1  }
0x99: {  	s19 =	simm.s32 $_scs_section_size  }
0x9a: {  	s4 =	simm.s32 $_size__tile_overlayer_lowered;
	s5 =	simm.s32 $_tile_overlayer_lowered  }
0x9b: {  	s22 =	simm.s32 $0x1BFF;
	s21 =	sshll.u32 s5, $0x1;
	s2 =	sadd.s32 s19, s18  }
0x9c: {  	s6 =	simm.s32 $0x0;
	s20 =	sshll.u32 s4, $0x1;
	s4 =	sadd.s32 s21, s2  }
0x9d: {  	[timem:s6], [sflag:s22] =	dma.local [hbm:s4], s20  }
0x9e: {  	_ =	swait.ge [sflag:s22], s20  }
0x9f: {  	s3 =	ssub.s32 $0x0, s20;
	[sflag:s22] =	ssyncset.done $0x0  }
0xa0: {  	[sflag:s22] =	ssyncadd.s32 s3;
	_ =	sdelay $0x1  }
0xa1: {  	s23 =	simm.s32 $0x1B8B  }
0xa2: {  	_ =	swait.ge [sflag:s23], $0x1  }
0xa3: {  	[sflag:s23] =	ssyncset.done $0x0  }
0xa4: {  	s25 =	simm.s32 $0x1B8E;
	s24 =	sld [smem:$0x3FFE];
	[sflag:s23] =	ssyncadd.s32 $0xFFFFFFFF  }
0xa5: {  	s26 =	simm.s32 $execute0_lowered;
	[smem:$0x3FD2] =	sst s25  }
0xa6: {  	s4 =	sshll.u32 s26, $0x1;
	_ =	strace $0x8000004F;
	[dreg:$0x1] =	wrdreg $0xFFFFFFFF  }
0xa7: {  	s28 =	simm.s32 $_size_execute0_lowered;
	s2 =	sadd.s32 s2, s4;
	[dreg:$0x0] =	wrdreg $0x0  }
0xa8: {  	s4 =	sshll.u32 s28, $0x1;
	[dreg:$0x2] =	wrdreg s2  }
0xa9: {  	[dreg:$0x3] =	wrdreg s4  }
0xaa: {  	[dreg:$0x4] =	wrdreg $0xC0  }
0xab: {  	_ =	task [dreg:s6], $0x5FFFF  }
0xac: {  	[dreg:$0x1] =	wrdreg $0xFFFFFFFF  }
0xad: {  	[dreg:$0x0] =	wrdreg $0x60  }
0xae: {  	[dreg:$0x2] =	wrdreg s24  }
0xaf: {  	[dreg:$0x3] =	wrdreg $0x9  }
0xb0: {  	_ =	task.clear_ibuf [dreg:s6], $0x4FFFF;
	_ =	strace $0x9000004F  }
0xb1: {  	s29 =	simm.s32 $0x9;
	_ =	strace $0x80000051  }
0xb2: {  	_ =	swait.ge [sflag:s29], $0x1  }
0xb3: {  	[sflag:s29] =	ssyncadd.s32 $0xFFFFFFFF  }
0xb4: {  	_ =	strace $0x90000051  }
0xb5: {  	_ =	sfence  }
0xb6: {  	s30 =	sld [smem:$0x0];
	_ =	sdelay $0x2  }
0xb7: {  	s31 =	sshll.u32 s1, $0xD;
	s1 =	sshrl.u32 s1, $0x2  }
0xb8: {  	s3 =	sand.u32 $0x4000, s31;
	s1 =	sadd.s32 s1, s30  }
0xb9: {  	s0 =	sor.u32 s3, s0;
	s1 =	sshll.u32 s1, $0x11  }
0xba: {  	s0 =	sor.u32 s1, s0  }
0xbb: {  	s0 =	sadd.s32 $0x8F2B, s0  }
0xbc: {  	[sflag:s0] =	ssyncadd.remote.s32 $0x1  }
0xbd: {  	_ =	sfence.sel $0xFFFF  }
0xbe: {  	[dreg:$0x0] =	wrdreg $0xFFFFFFFF;
	(pc) =	sbr.abs _section_cstart, $3  }
0xbf: {  	[dreg:$0x1] =	wrdreg $0xFFFFFFFF  }
0xc0: {  	_ =	task.clear_ibuf [dreg:s6], $0x2FFFF;
	_ =	strace $0x9FFFFFFF  }
0xc1: {  	(tm) =	ssettm $0x7FFFFFFF  }
tec
execute0_lowered:
.L_overlay_start_1:
0x0: {  	(tag) =	ssettag $0x1  }
0x1: {  	s1 =	srdreg.scid;
	s0 =	stileid.u32  }
0x2: {  	s4 =	rddreg [dreg:$0x0];
	s2 =	simm.s32 $0x0;
	s10 =	simm.s32 $0x1  }
0x3: {  	s3 =	sand.u32 $0x1, s1;
	s5 =	smul.u32 $0x1400, s0;
	s1 =	rddreg [dreg:$0x1]  }
0x4: {  	s11 =	simm.s32 $0x0;
	[smem:$0x7FF] =	sst s2;
	s30 =	smul.u32 $0x14000, s0  }
0x5: {  	s6 =	smul.u32 $0xA00, s3;
	_ =	strace $0x80000050;
	s7 =	ssub.s32 $0x2, s3  }
0x6: {  	s9 =	smul.u32 $0xA000, s3;
	s3 =	sadd.s32 $0x23000, s4;
	s8 =	sshrl.u32 s7, $0x1  }
0x7: {  	s5 =	sadd.s32 s6, s5;
	s6 =	sadd.s32 s30, s4;
	s31 =	ssub.s32 s7, s8  }
0x8: {  	s7 =	simm.s32 $0x2;
	s8 =	simm.s32 $0xA0;
	s5 =	sshrl.u32 s5, $0x3  }
0x9: {  	s6 =	sadd.s32 s9, s6;
	s9 =	simm.s32 $0x100;
	s5 =	sadd.s32 s5, s4  }
0xa: {  	s4 =	smax.u32 s31, $0x1;
	s6 =	sadd.s32 $0x35800, s6;
	s5 =	sadd.s32 $0x33000, s5  }
.LBB2_1:
0xb: {  	s12 =	sadd.s32 $0x0, s5  }
0xc: {  	[tilespmem:s2], [sflag:$0x2] =	stream.linear.gather [hbm4b:s12+s2], $0xA0, $0x38;
	[tilespmem:$0x5100] =	vst v63  }
0xd: {  	_ =	swait.ge [sflag:s7], $0xA0  }
0xe: {  	[sflag:s7] =	ssyncset.done $0x0  }
0xf: {  	[sflag:s7] =	ssyncadd.s32 $0xFFFFFF60  }
0x10: {  	[tilespmem:s9], [sflag:$0x1] =	stream.indirect.gather [hbm4b:s3+s8], $0x80, s2, s8, $0xb8;
	[tilespmem:$0x5100] =	vst v63  }
0x11: {  	_ =	swait.ge [sflag:s10], $0x5000  }
0x12: {  	[sflag:s10] =	ssyncset.done $0x0  }
0x13: {  	[sflag:s10] =	ssyncadd.s32 $0xFFFFB000  }
0x14: {  	[hbm4b:s6+s2] =	stream.linear.scatter [tilespmem:s9], [sflag:$0x2], $0x5000, $0x38;
	[tilespmem:$0x5100] =	vst v63  }
0x15: {  	s13 =	simm.s32 $0x14;
	_ =	swait.ge [sflag:s7], $0x5000  }
0x16: {  	s14 =	simm.s32 $0x28;
	s12 =	sadd.s32 $0xA00, s6;
	[sflag:s7] =	ssyncset.done $0x0  }
.LBB2_2:
0x17: {  	s15 =	sadd.s32 s13, s5  }
0x18: {  	[sflag:s7] =	ssyncadd.s32 $0xFFFFB000;
	s13 =	smov.u32 s14;
	s16 =	sadd.s32 $0x14, s14  }
0x19: {  	[tilespmem:s2], [sflag:$0x2] =	stream.linear.gather [hbm4b:s15+s2], $0xA0, $0x38;
	[tilespmem:$0x5100] =	vst v63  }
0x1a: {  	p0 =	sne.s32 s14, $0x12C;
	_ =	swait.ge [sflag:s7], $0xA0  }
0x1b: {  	[sflag:s7] =	ssyncset.done $0x0  }
0x1c: {  	[sflag:s7] =	ssyncadd.s32 $0xFFFFFF60  }
0x1d: {  	[tilespmem:s9], [sflag:$0x1] =	stream.indirect.gather [hbm4b:s3+s8], $0x80, s2, s8, $0xb8;
	[tilespmem:$0x5100] =	vst v63  }
0x1e: {  	_ =	swait.ge [sflag:s10], $0x5000  }
.Ltmp0:
0x1f: {  	[sflag:s10] =	ssyncset.done $0x0;
	(pc) =	sbr.rel @p0 .LBB2_2-.Ltmp0, $4  }
0x20: {  	[sflag:s10] =	ssyncadd.s32 $0xFFFFB000  }
0x21: {  	[hbm4b:s12+s2] =	stream.linear.scatter [tilespmem:s9], [sflag:$0x2], $0x5000, $0x38;
	[tilespmem:$0x5100] =	vst v63  }
0x22: {  	_ =	swait.ge [sflag:s7], $0x5000  }
0x23: {  	s14 =	smov.u32 s16;
	s12 =	sadd.s32 $0xA00, s12;
	[sflag:s7] =	ssyncset.done $0x0  }
0x24: {  	s13 =	sadd.s32 s13, s5;
	[sflag:s7] =	ssyncadd.s32 $0xFFFFB000  }
0x25: {  	[tilespmem:s2], [sflag:$0x2] =	stream.linear.gather [hbm4b:s13+s2], $0xA0, $0x38;
	[tilespmem:$0x5100] =	vst v63  }
0x26: {  	_ =	swait.ge [sflag:s7], $0xA0  }
0x27: {  	[sflag:s7] =	ssyncset.done $0x0  }
0x28: {  	[sflag:s7] =	ssyncadd.s32 $0xFFFFFF60  }
0x29: {  	[tilespmem:s9], [sflag:$0x1] =	stream.indirect.gather [hbm4b:s3+s8], $0x80, s2, s8, $0xb8;
	[tilespmem:$0x5100] =	vst v63  }
0x2a: {  	s11 =	sadd.s32 $0x1, s11;
	_ =	swait.ge [sflag:s10], $0x5000  }
0x2b: {  	p0 =	sne.s32 s11, s4;
	[sflag:s10] =	ssyncset.done $0x0  }
.Ltmp1:
0x2c: {  	[sflag:s10] =	ssyncadd.s32 $0xFFFFB000;
	(pc) =	sbr.rel @p0 .LBB2_1-.Ltmp1, $4  }
0x2d: {  	[hbm4b:s12+s2] =	stream.linear.scatter [tilespmem:s9], [sflag:$0x2], $0x5000, $0x38;
	[tilespmem:$0x5100] =	vst v63  }
0x2e: {  	_ =	swait.ge [sflag:s7], $0x5000  }
0x2f: {  	[sflag:s7] =	ssyncset.done $0x0  }
0x30: {  	[sflag:s7] =	ssyncadd.s32 $0xFFFFB000  }
0x31: {  	_ =	sfence.sel $0x180000  }
0x32: {  	[bflag:$0x0] =	sbarrier.arrive $0xFFFF  }
0x33: {  	p0 =	sne.s32 s0, $0x0;
	_ =	strace $0x90000050  }
0x34: {  	s0 =	sadd.s32 @!p0 $0x100000, s1;
	[bflag:$0x2] =	sbarrier.arrive $0xFFFF  }
0x35: {  	[sflag:s0] =	ssyncadd.tile.s32 @!p0 $0x1;
	_ =	shalt  }
.Lfunc_end2:
_tile_overlayer_lowered:
.L_overlay_start_2:
0x36: {  	(tag) =	ssettag $0x2  }
0x37: {  	s0 =	rddreg [dreg:$0x0];
	s2 =	stileid.u32  }
0x38: {  	s1 =	rddreg [dreg:$0x1];
	p0 =	sne.s32 s2, $0x0  }
0x39: {  	s3 =	rddreg [dreg:$0x2];
	[bflag:$0x3] =	sbarrier.arrive $0xFFFF;
	s2 =	simm.s32 @!p0 $0x1C02  }
0x3a: {  	[timem:s3], [sflag:s2] =	dma.local @!p0 [hbm:s0], s1  }
0x3b: {  	s0 =	simm.s32 @!p0 $0x2  }
0x3c: {  	_ =	swait.ge @!p0 [sflag:s0], s1  }
0x3d: {  	s1 =	ssub.s32 @!p0 $0x0, s1;
	[sflag:s0] =	ssyncset.done @!p0 $0x0  }
0x3e: {  	[sflag:s0] =	ssyncadd.s32 @!p0 s1  }
0x3f: {  	[bflag:$0x3] =	sbarrier.arrive $0xFFFF  }
0x40: {  	_ =	shalt  }

</sc_bundles>
